<compile_context>
chip_gen: v7x
topology: tpu7x:2x2x1
jax: 0.10.2.dev20260603
libtpu: 0.0.44.dev20260713+nightly
codegen_flags: <defaults>
</compile_context>

<pallas_src>
import functools

import jax
import jax.numpy as jnp
from jax import lax
from jax.experimental import pallas as pl
from jax.experimental.pallas import tpu as pltpu
from jax.experimental.pallas import tpu_sc as plsc

_HALF = 8192
_K = 32
_NC = 2
_NS = 16
_L = 16
_NW = _NC * _NS
_BPW = _HALF // _NW
_NCH = 2
_CH = _BPW // _NCH

_SPECS = ((0, 0), (0, 1), (0, 2), (1, 0), (1, 2))
_TABLES = (0, 1, 0, 0, 0)


def _body(x_hbm, emb_e, emb_r, o_hs, o_ls, o_ts, o_hcs, o_tcs,
          xp_v, xn_v, idx_v, rows_v, gsem, wsem):
    w = lax.axis_index("s") * _NC + lax.axis_index("c")
    outs = (o_hs, o_ls, o_ts, o_hcs, o_tcs)
    tables = (emb_e, emb_r)
    base = w * (_BPW * 3)
    pltpu.sync_copy(x_hbm.at[pl.ds(base, _BPW * 3)], xp_v)
    pltpu.sync_copy(x_hbm.at[pl.ds(_HALF * 3 + base, _BPW * 3)], xn_v)
    lanes3 = lax.iota(jnp.int32, _L) * 3
    halves = (xp_v, xn_v)
    vecs_per_chunk = _CH // _L
    for i in range(_BPW // _L):
        off = lanes3 + (i * _L * 3)
        for slot, (half_sel, col) in enumerate(_SPECS):
            v = plsc.load_gather(halves[half_sel], [off + col])
            idx_v[slot, i // vecs_per_chunk,
                  pl.ds((i % vecs_per_chunk) * _L, _L)] = v
    handles = []
    for slot in range(5):
        table = tables[_TABLES[slot]]
        for j in range(_NCH):
            handles.append(pltpu.async_copy(
                table.at[idx_v.at[slot, j]],
                rows_v.at[slot, pl.ds(j * _CH, _CH), :],
                gsem))
    for h in handles:
        h.wait()
    whandles = []
    for slot in range(5):
        whandles.append(pltpu.async_copy(
            rows_v.at[slot], outs[slot].at[pl.ds(w * _BPW, _BPW), :], wsem))
    for h in whandles:
        h.wait()


@jax.jit
def _gather5(x_flat, emb_e, emb_r):
    mesh = plsc.VectorSubcoreMesh(core_axis_name="c", subcore_axis_name="s")
    f = pl.kernel(
        _body,
        out_type=[jax.ShapeDtypeStruct((_HALF, _K), jnp.float32)] * 5,
        mesh=mesh,
        compiler_params=pltpu.CompilerParams(
            needs_layout_passes=False, use_tc_tiling_on_sc=False),
        scratch_types=[
            pltpu.VMEM((_BPW * 3,), jnp.int32),
            pltpu.VMEM((_BPW * 3,), jnp.int32),
            pltpu.VMEM((5, _NCH, _CH), jnp.int32),
            pltpu.VMEM((5, _BPW, _K), jnp.float32),
            pltpu.SemaphoreType.DMA,
            pltpu.SemaphoreType.DMA,
        ],
    )
    return f(x_flat, emb_e, emb_r)


def kernel(X, emb_E, emb_R):
    e_hs, e_ls, e_ts, e_hcs, e_tcs = _gather5(X.reshape(-1), emb_E, emb_R)
    return (e_hs, e_ls, e_ts, e_hcs, e_tcs)

# --- scband reference (transcript-rebuilt; emitter-appended) ---
"""Pipeline reference for scband-trans-e-17575006175490 (READ-ONLY COPY).

The authoritative reference and input builder live on the scoring server;
editing this copy changes nothing except your own understanding.
"""

import jax, jax.numpy as jnp
import numpy as np

N_E = 1000000
N_R = 1000000
K = 32
M = 16384


def _renorm_rows_maxnorm1(w):
    # torch renorm_(p=2, dim=0, maxnorm=1): each row's L2 norm clipped to <= 1
    norms = jnp.sqrt(jnp.sum(w * w, axis=1, keepdims=True))
    scale = jnp.minimum(1.0, 1.0 / jnp.maximum(norms, 1e-12))
    return w * scale


def setup_inputs(seed: int = 0) -> dict:
    key = jax.random.key(seed)
    k1, k2, k3 = jax.random.split(key, 3)
    X = jax.random.randint(k1, (M, 3), 0, N_E, dtype=jnp.int32)
    r = 6.0 / np.sqrt(K)
    emb_E = jax.random.uniform(k2, (N_E, K), minval=-r, maxval=r, dtype=jnp.float32)
    emb_R = jax.random.uniform(k3, (N_R, K), minval=-r, maxval=r, dtype=jnp.float32)
    emb_E = _renorm_rows_maxnorm1(emb_E)
    emb_R = _renorm_rows_maxnorm1(emb_R)
    return {"X": X, "emb_E": emb_E, "emb_R": emb_R}


def reference(X, emb_E, emb_R):
    Mtot = X.shape[0]
    half = Mtot // 2
    X_pos = X[:half, :]
    X_neg = X[half:, :]
    hs = X_pos[:, 0]
    ls = X_pos[:, 1]
    ts = X_pos[:, 2]
    hcs = X_neg[:, 0]
    tcs = X_neg[:, 2]
    e_hs = jnp.take(emb_E, hs, axis=0)
    e_ts = jnp.take(emb_E, ts, axis=0)
    e_ls = jnp.take(emb_R, ls, axis=0)
    e_hcs = jnp.take(emb_E, hcs, axis=0)
    e_tcs = jnp.take(emb_E, tcs, axis=0)
    return (e_hs, e_ls, e_ts, e_hcs, e_tcs)

if __name__ == "__main__":
    import jax
    _d = setup_inputs()
    print(jax.jit(kernel)(*tuple(_d.values())))

</pallas_src>

<mosaic_0001>
#map = affine_map<(d0, d1) -> (0)>
#map1 = affine_map<(d0, d1) -> (0, 0)>
module attributes {stable_mosaic.version = 14 : i64} {
  func.func @_body(%arg0: i32, %arg1: i32, %arg2: memref<49152xi32, #tpu.memory_space<hbm>>, %arg3: memref<1000000x32xf32, #tpu.memory_space<hbm>>, %arg4: memref<1000000x32xf32, #tpu.memory_space<hbm>>, %arg5: memref<8192x32xf32, #tpu.memory_space<hbm>>, %arg6: memref<8192x32xf32, #tpu.memory_space<hbm>>, %arg7: memref<8192x32xf32, #tpu.memory_space<hbm>>, %arg8: memref<8192x32xf32, #tpu.memory_space<hbm>>, %arg9: memref<8192x32xf32, #tpu.memory_space<hbm>>, %arg10: memref<768xi32, #tpu.memory_space<vmem>>, %arg11: memref<768xi32, #tpu.memory_space<vmem>>, %arg12: memref<5x2x128xi32, #tpu.memory_space<vmem>>, %arg13: memref<5x256x32xf32, #tpu.memory_space<vmem>>, %arg14: memref<!tpu.dma_semaphore, #tpu.memory_space<semaphore_mem>>, %arg15: memref<!tpu.dma_semaphore, #tpu.memory_space<semaphore_mem>>) attributes {dimension_semantics = [#tpu.dimension_semantics<core_parallel>, #tpu.dimension_semantics<subcore_parallel>], iteration_bounds = array<i64: 2, 16>, scalar_prefetch = 0 : i64, scratch_operands = 6 : i64, tpu.core_type = #tpu.core_type<sc_vector_subcore>, window_params = [{transform_indices = #map}, {transform_indices = #map1}, {transform_indices = #map1}, {transform_indices = #map1}, {transform_indices = #map1}, {transform_indices = #map1}, {transform_indices = #map1}, {transform_indices = #map1}]} {
    %mul3A = arith.constant 2 : i32
    %mul3A_0 = arith.muli %arg1, %mul3A : i32
    %add3A = arith.addi %mul3A_0, %arg0 : i32
    %mul3A_1 = arith.constant 768 : i32
    %mul3A_2 = arith.muli %add3A, %mul3A_1 : i32
    "tpu.region"() ({
      %run_scoped3A = tpu.sem_alloc : memref<!tpu.dma_semaphore, #tpu.memory_space<semaphore_mem>>
      %dma_start3A_1252 = tpu.memref_slice %arg2[%mul3A_2] : memref<49152xi32, #tpu.memory_space<hbm>> -> memref<768xi32, #tpu.memory_space<hbm>>
      %dma_start3A_1253 = tpu.memref_slice %arg2[%mul3A_2] : memref<49152xi32, #tpu.memory_space<hbm>> -> memref<768xi32, #tpu.memory_space<hbm>>
      tpu.enqueue_dma source(%dma_start3A_1253 : memref<768xi32, #tpu.memory_space<hbm>>) target(%arg10 : memref<768xi32, #tpu.memory_space<vmem>>) target_semaphore(%run_scoped3A : memref<!tpu.dma_semaphore, #tpu.memory_space<semaphore_mem>>)
      %dma_wait3A_1254 = tpu.memref_slice %arg2[%mul3A_2] : memref<49152xi32, #tpu.memory_space<hbm>> -> memref<768xi32, #tpu.memory_space<hbm>>
      %dma_wait3A_1255 = tpu.memref_slice %arg2[%mul3A_2] : memref<49152xi32, #tpu.memory_space<hbm>> -> memref<768xi32, #tpu.memory_space<hbm>>
      tpu.wait_dma2 semaphore(%run_scoped3A : memref<!tpu.dma_semaphore, #tpu.memory_space<semaphore_mem>>) src(%dma_wait3A_1255 : memref<768xi32, #tpu.memory_space<hbm>>) dst(%arg10 : memref<768xi32, #tpu.memory_space<vmem>>)
      tpu.yield
    }) : () -> ()
    %add3A_3 = arith.constant 24576 : i32
    %add3A_4 = arith.addi %add3A_3, %mul3A_2 : i32
    "tpu.region"() ({
      %run_scoped3A = tpu.sem_alloc : memref<!tpu.dma_semaphore, #tpu.memory_space<semaphore_mem>>
      %dma_start3A_1252 = tpu.memref_slice %arg2[%add3A_4] : memref<49152xi32, #tpu.memory_space<hbm>> -> memref<768xi32, #tpu.memory_space<hbm>>
      %dma_start3A_1253 = tpu.memref_slice %arg2[%add3A_4] : memref<49152xi32, #tpu.memory_space<hbm>> -> memref<768xi32, #tpu.memory_space<hbm>>
      tpu.enqueue_dma source(%dma_start3A_1253 : memref<768xi32, #tpu.memory_space<hbm>>) target(%arg11 : memref<768xi32, #tpu.memory_space<vmem>>) target_semaphore(%run_scoped3A : memref<!tpu.dma_semaphore, #tpu.memory_space<semaphore_mem>>)
      %dma_wait3A_1254 = tpu.memref_slice %arg2[%add3A_4] : memref<49152xi32, #tpu.memory_space<hbm>> -> memref<768xi32, #tpu.memory_space<hbm>>
      %dma_wait3A_1255 = tpu.memref_slice %arg2[%add3A_4] : memref<49152xi32, #tpu.memory_space<hbm>> -> memref<768xi32, #tpu.memory_space<hbm>>
      tpu.wait_dma2 semaphore(%run_scoped3A : memref<!tpu.dma_semaphore, #tpu.memory_space<semaphore_mem>>) src(%dma_wait3A_1255 : memref<768xi32, #tpu.memory_space<hbm>>) dst(%arg11 : memref<768xi32, #tpu.memory_space<vmem>>)
      tpu.yield
    }) : () -> ()
    %iota3A = tpu.iota {dimensions = array<i32: 0>} : vector<16xi32>
    %mul3A_5 = arith.constant 3 : i32
    %mul3A_6 = vector.broadcast %mul3A_5 : i32 to vector<16xi32>
    %mul3A_7 = arith.muli %iota3A, %mul3A_6 : vector<16xi32>
    %add3A_8 = arith.constant 0 : i32
    %add3A_9 = vector.broadcast %add3A_8 : i32 to vector<16xi32>
    %add3A_10 = arith.addi %mul3A_7, %add3A_9 : vector<16xi32>
    %add3A_11 = arith.constant 0 : i32
    %add3A_12 = vector.broadcast %add3A_11 : i32 to vector<16xi32>
    %add3A_13 = arith.addi %add3A_10, %add3A_12 : vector<16xi32>
    %gather3A = tpu.vector_load_idx %arg10[%add3A_13] : memref<768xi32, #tpu.memory_space<vmem>>[vector<16xi32>], vector<16xi32>,
    %swap3A = arith.constant 0 : i32
    %swap3A_14 = arith.constant 0 : i32
    %swap3A_15 = arith.index_cast %swap3A : i32 to index
    %swap3A_16 = arith.index_cast %swap3A_14 : i32 to index
    %swap3A_17 = arith.constant 0 : index
    %swap3A_18 = tpu.vector_load %arg12[%swap3A_15, %swap3A_16, %swap3A_17] {strides = array<i32>} : memref<5x2x128xi32, #tpu.memory_space<vmem>>, vector<16xi32>,
    tpu.vector_store %arg12[%swap3A_15, %swap3A_16, %swap3A_17], %gather3A {strides = array<i32>} : memref<5x2x128xi32, #tpu.memory_space<vmem>>, vector<16xi32>,
    %add3A_19 = arith.constant 1 : i32
    %add3A_20 = vector.broadcast %add3A_19 : i32 to vector<16xi32>
    %add3A_21 = arith.addi %add3A_10, %add3A_20 : vector<16xi32>
    %gather3A_22 = tpu.vector_load_idx %arg10[%add3A_21] : memref<768xi32, #tpu.memory_space<vmem>>[vector<16xi32>], vector<16xi32>,
    %swap3A_23 = arith.constant 1 : i32
    %swap3A_24 = arith.constant 0 : i32
    %swap3A_25 = arith.index_cast %swap3A_23 : i32 to index
    %swap3A_26 = arith.index_cast %swap3A_24 : i32 to index
    %swap3A_27 = arith.constant 0 : index
    %swap3A_28 = tpu.vector_load %arg12[%swap3A_25, %swap3A_26, %swap3A_27] {strides = array<i32>} : memref<5x2x128xi32, #tpu.memory_space<vmem>>, vector<16xi32>,
    tpu.vector_store %arg12[%swap3A_25, %swap3A_26, %swap3A_27], %gather3A_22 {strides = array<i32>} : memref<5x2x128xi32, #tpu.memory_space<vmem>>, vector<16xi32>,
    %add3A_29 = arith.constant 2 : i32
    %add3A_30 = vector.broadcast %add3A_29 : i32 to vector<16xi32>
    %add3A_31 = arith.addi %add3A_10, %add3A_30 : vector<16xi32>
    %gather3A_32 = tpu.vector_load_idx %arg10[%add3A_31] : memref<768xi32, #tpu.memory_space<vmem>>[vector<16xi32>], vector<16xi32>,
    %swap3A_33 = arith.constant 2 : i32
    %swap3A_34 = arith.constant 0 : i32
    %swap3A_35 = arith.index_cast %swap3A_33 : i32 to index
    %swap3A_36 = arith.index_cast %swap3A_34 : i32 to index
    %swap3A_37 = arith.constant 0 : index
    %swap3A_38 = tpu.vector_load %arg12[%swap3A_35, %swap3A_36, %swap3A_37] {strides = array<i32>} : memref<5x2x128xi32, #tpu.memory_space<vmem>>, vector<16xi32>,
    tpu.vector_store %arg12[%swap3A_35, %swap3A_36, %swap3A_37], %gather3A_32 {strides = array<i32>} : memref<5x2x128xi32, #tpu.memory_space<vmem>>, vector<16xi32>,
    %add3A_39 = arith.constant 0 : i32
    %add3A_40 = vector.broadcast %add3A_39 : i32 to vector<16xi32>
    %add3A_41 = arith.addi %add3A_10, %add3A_40 : vector<16xi32>
    %gather3A_42 = tpu.vector_load_idx %arg11[%add3A_41] : memref<768xi32, #tpu.memory_space<vmem>>[vector<16xi32>], vector<16xi32>,
    %swap3A_43 = arith.constant 3 : i32
    %swap3A_44 = arith.constant 0 : i32
    %swap3A_45 = arith.index_cast %swap3A_43 : i32 to index
    %swap3A_46 = arith.index_cast %swap3A_44 : i32 to index
    %swap3A_47 = arith.constant 0 : index
    %swap3A_48 = tpu.vector_load %arg12[%swap3A_45, %swap3A_46, %swap3A_47] {strides = array<i32>} : memref<5x2x128xi32, #tpu.memory_space<vmem>>, vector<16xi32>,
    tpu.vector_store %arg12[%swap3A_45, %swap3A_46, %swap3A_47], %gather3A_42 {strides = array<i32>} : memref<5x2x128xi32, #tpu.memory_space<vmem>>, vector<16xi32>,
    %add3A_49 = arith.constant 2 : i32
    %add3A_50 = vector.broadcast %add3A_49 : i32 to vector<16xi32>
    %add3A_51 = arith.addi %add3A_10, %add3A_50 : vector<16xi32>
    %gather3A_52 = tpu.vector_load_idx %arg11[%add3A_51] : memref<768xi32, #tpu.memory_space<vmem>>[vector<16xi32>], vector<16xi32>,
    %swap3A_53 = arith.constant 4 : i32
    %swap3A_54 = arith.constant 0 : i32
    %swap3A_55 = arith.index_cast %swap3A_53 : i32 to index
    %swap3A_56 = arith.index_cast %swap3A_54 : i32 to index
    %swap3A_57 = arith.constant 0 : index
    %swap3A_58 = tpu.vector_load %arg12[%swap3A_55, %swap3A_56, %swap3A_57] {strides = array<i32>} : memref<5x2x128xi32, #tpu.memory_space<vmem>>, vector<16xi32>,
    tpu.vector_store %arg12[%swap3A_55, %swap3A_56, %swap3A_57], %gather3A_52 {strides = array<i32>} : memref<5x2x128xi32, #tpu.memory_space<vmem>>, vector<16xi32>,
    %add3A_59 = arith.constant 48 : i32
    %add3A_60 = vector.broadcast %add3A_59 : i32 to vector<16xi32>
    %add3A_61 = arith.addi %mul3A_7, %add3A_60 : vector<16xi32>
    %add3A_62 = arith.constant 0 : i32
    %add3A_63 = vector.broadcast %add3A_62 : i32 to vector<16xi32>
    %add3A_64 = arith.addi %add3A_61, %add3A_63 : vector<16xi32>
    %gather3A_65 = tpu.vector_load_idx %arg10[%add3A_64] : memref<768xi32, #tpu.memory_space<vmem>>[vector<16xi32>], vector<16xi32>,
    %swap3A_66 = arith.constant 0 : i32
    %swap3A_67 = arith.constant 0 : i32
    %swap3A_68 = arith.index_cast %swap3A_66 : i32 to index
    %swap3A_69 = arith.index_cast %swap3A_67 : i32 to index
    %swap3A_70 = arith.constant 16 : index
    %swap3A_71 = tpu.vector_load %arg12[%swap3A_68, %swap3A_69, %swap3A_70] {strides = array<i32>} : memref<5x2x128xi32, #tpu.memory_space<vmem>>, vector<16xi32>,
    tpu.vector_store %arg12[%swap3A_68, %swap3A_69, %swap3A_70], %gather3A_65 {strides = array<i32>} : memref<5x2x128xi32, #tpu.memory_space<vmem>>, vector<16xi32>,
    %add3A_72 = arith.constant 1 : i32
    %add3A_73 = vector.broadcast %add3A_72 : i32 to vector<16xi32>
    %add3A_74 = arith.addi %add3A_61, %add3A_73 : vector<16xi32>
    %gather3A_75 = tpu.vector_load_idx %arg10[%add3A_74] : memref<768xi32, #tpu.memory_space<vmem>>[vector<16xi32>], vector<16xi32>,
    %swap3A_76 = arith.constant 1 : i32
    %swap3A_77 = arith.constant 0 : i32
    %swap3A_78 = arith.index_cast %swap3A_76 : i32 to index
    %swap3A_79 = arith.index_cast %swap3A_77 : i32 to index
    %swap3A_80 = arith.constant 16 : index
    %swap3A_81 = tpu.vector_load %arg12[%swap3A_78, %swap3A_79, %swap3A_80] {strides = array<i32>} : memref<5x2x128xi32, #tpu.memory_space<vmem>>, vector<16xi32>,
    tpu.vector_store %arg12[%swap3A_78, %swap3A_79, %swap3A_80], %gather3A_75 {strides = array<i32>} : memref<5x2x128xi32, #tpu.memory_space<vmem>>, vector<16xi32>,
    %add3A_82 = arith.constant 2 : i32
    %add3A_83 = vector.broadcast %add3A_82 : i32 to vector<16xi32>
    %add3A_84 = arith.addi %add3A_61, %add3A_83 : vector<16xi32>
    %gather3A_85 = tpu.vector_load_idx %arg10[%add3A_84] : memref<768xi32, #tpu.memory_space<vmem>>[vector<16xi32>], vector<16xi32>,
    %swap3A_86 = arith.constant 2 : i32
    %swap3A_87 = arith.constant 0 : i32
    %swap3A_88 = arith.index_cast %swap3A_86 : i32 to index
    %swap3A_89 = arith.index_cast %swap3A_87 : i32 to index
    %swap3A_90 = arith.constant 16 : index
    %swap3A_91 = tpu.vector_load %arg12[%swap3A_88, %swap3A_89, %swap3A_90] {strides = array<i32>} : memref<5x2x128xi32, #tpu.memory_space<vmem>>, vector<16xi32>,
    tpu.vector_store %arg12[%swap3A_88, %swap3A_89, %swap3A_90], %gather3A_85 {strides = array<i32>} : memref<5x2x128xi32, #tpu.memory_space<vmem>>, vector<16xi32>,
    %add3A_92 = arith.constant 0 : i32
    %add3A_93 = vector.broadcast %add3A_92 : i32 to vector<16xi32>
    %add3A_94 = arith.addi %add3A_61, %add3A_93 : vector<16xi32>
    %gather3A_95 = tpu.vector_load_idx %arg11[%add3A_94] : memref<768xi32, #tpu.memory_space<vmem>>[vector<16xi32>], vector<16xi32>,
    %swap3A_96 = arith.constant 3 : i32
    %swap3A_97 = arith.constant 0 : i32
    %swap3A_98 = arith.index_cast %swap3A_96 : i32 to index
    %swap3A_99 = arith.index_cast %swap3A_97 : i32 to index
    %swap3A_100 = arith.constant 16 : index
    %swap3A_101 = tpu.vector_load %arg12[%swap3A_98, %swap3A_99, %swap3A_100] {strides = array<i32>} : memref<5x2x128xi32, #tpu.memory_space<vmem>>, vector<16xi32>,
    tpu.vector_store %arg12[%swap3A_98, %swap3A_99, %swap3A_100], %gather3A_95 {strides = array<i32>} : memref<5x2x128xi32, #tpu.memory_space<vmem>>, vector<16xi32>,
    %add3A_102 = arith.constant 2 : i32
    %add3A_103 = vector.broadcast %add3A_102 : i32 to vector<16xi32>
    %add3A_104 = arith.addi %add3A_61, %add3A_103 : vector<16xi32>
    %gather3A_105 = tpu.vector_load_idx %arg11[%add3A_104] : memref<768xi32, #tpu.memory_space<vmem>>[vector<16xi32>], vector<16xi32>,
    %swap3A_106 = arith.constant 4 : i32
    %swap3A_107 = arith.constant 0 : i32
    %swap3A_108 = arith.index_cast %swap3A_106 : i32 to index
    %swap3A_109 = arith.index_cast %swap3A_107 : i32 to index
    %swap3A_110 = arith.constant 16 : index
    %swap3A_111 = tpu.vector_load %arg12[%swap3A_108, %swap3A_109, %swap3A_110] {strides = array<i32>} : memref<5x2x128xi32, #tpu.memory_space<vmem>>, vector<16xi32>,
    tpu.vector_store %arg12[%swap3A_108, %swap3A_109, %swap3A_110], %gather3A_105 {strides = array<i32>} : memref<5x2x128xi32, #tpu.memory_space<vmem>>, vector<16xi32>,
    %add3A_112 = arith.constant 96 : i32
    %add3A_113 = vector.broadcast %add3A_112 : i32 to vector<16xi32>
    %add3A_114 = arith.addi %mul3A_7, %add3A_113 : vector<16xi32>
    %add3A_115 = arith.constant 0 : i32
    %add3A_116 = vector.broadcast %add3A_115 : i32 to vector<16xi32>
    %add3A_117 = arith.addi %add3A_114, %add3A_116 : vector<16xi32>
    %gather3A_118 = tpu.vector_load_idx %arg10[%add3A_117] : memref<768xi32, #tpu.memory_space<vmem>>[vector<16xi32>], vector<16xi32>,
    %swap3A_119 = arith.constant 0 : i32
    %swap3A_120 = arith.constant 0 : i32
    %swap3A_121 = arith.index_cast %swap3A_119 : i32 to index
    %swap3A_122 = arith.index_cast %swap3A_120 : i32 to index
    %swap3A_123 = arith.constant 32 : index
    %swap3A_124 = tpu.vector_load %arg12[%swap3A_121, %swap3A_122, %swap3A_123] {strides = array<i32>} : memref<5x2x128xi32, #tpu.memory_space<vmem>>, vector<16xi32>,
    tpu.vector_store %arg12[%swap3A_121, %swap3A_122, %swap3A_123], %gather3A_118 {strides = array<i32>} : memref<5x2x128xi32, #tpu.memory_space<vmem>>, vector<16xi32>,
    %add3A_125 = arith.constant 1 : i32
    %add3A_126 = vector.broadcast %add3A_125 : i32 to vector<16xi32>
    %add3A_127 = arith.addi %add3A_114, %add3A_126 : vector<16xi32>
    %gather3A_128 = tpu.vector_load_idx %arg10[%add3A_127] : memref<768xi32, #tpu.memory_space<vmem>>[vector<16xi32>], vector<16xi32>,
    %swap3A_129 = arith.constant 1 : i32
    %swap3A_130 = arith.constant 0 : i32
    %swap3A_131 = arith.index_cast %swap3A_129 : i32 to index
    %swap3A_132 = arith.index_cast %swap3A_130 : i32 to index
    %swap3A_133 = arith.constant 32 : index
    %swap3A_134 = tpu.vector_load %arg12[%swap3A_131, %swap3A_132, %swap3A_133] {strides = array<i32>} : memref<5x2x128xi32, #tpu.memory_space<vmem>>, vector<16xi32>,
    tpu.vector_store %arg12[%swap3A_131, %swap3A_132, %swap3A_133], %gather3A_128 {strides = array<i32>} : memref<5x2x128xi32, #tpu.memory_space<vmem>>, vector<16xi32>,
    %add3A_135 = arith.constant 2 : i32
    %add3A_136 = vector.broadcast %add3A_135 : i32 to vector<16xi32>
    %add3A_137 = arith.addi %add3A_114, %add3A_136 : vector<16xi32>
    %gather3A_138 = tpu.vector_load_idx %arg10[%add3A_137] : memref<768xi32, #tpu.memory_space<vmem>>[vector<16xi32>], vector<16xi32>,
    %swap3A_139 = arith.constant 2 : i32
    %swap3A_140 = arith.constant 0 : i32
    %swap3A_141 = arith.index_cast %swap3A_139 : i32 to index
    %swap3A_142 = arith.index_cast %swap3A_140 : i32 to index
    %swap3A_143 = arith.constant 32 : index
    %swap3A_144 = tpu.vector_load %arg12[%swap3A_141, %swap3A_142, %swap3A_143] {strides = array<i32>} : memref<5x2x128xi32, #tpu.memory_space<vmem>>, vector<16xi32>,
    tpu.vector_store %arg12[%swap3A_141, %swap3A_142, %swap3A_143], %gather3A_138 {strides = array<i32>} : memref<5x2x128xi32, #tpu.memory_space<vmem>>, vector<16xi32>,
    %add3A_145 = arith.constant 0 : i32
    %add3A_146 = vector.broadcast %add3A_145 : i32 to vector<16xi32>
    %add3A_147 = arith.addi %add3A_114, %add3A_146 : vector<16xi32>
    %gather3A_148 = tpu.vector_load_idx %arg11[%add3A_147] : memref<768xi32, #tpu.memory_space<vmem>>[vector<16xi32>], vector<16xi32>,
    %swap3A_149 = arith.constant 3 : i32
    %swap3A_150 = arith.constant 0 : i32
    %swap3A_151 = arith.index_cast %swap3A_149 : i32 to index
    %swap3A_152 = arith.index_cast %swap3A_150 : i32 to index
    %swap3A_153 = arith.constant 32 : index
    %swap3A_154 = tpu.vector_load %arg12[%swap3A_151, %swap3A_152, %swap3A_153] {strides = array<i32>} : memref<5x2x128xi32, #tpu.memory_space<vmem>>, vector<16xi32>,
    tpu.vector_store %arg12[%swap3A_151, %swap3A_152, %swap3A_153], %gather3A_148 {strides = array<i32>} : memref<5x2x128xi32, #tpu.memory_space<vmem>>, vector<16xi32>,
    %add3A_155 = arith.constant 2 : i32
    %add3A_156 = vector.broadcast %add3A_155 : i32 to vector<16xi32>
    %add3A_157 = arith.addi %add3A_114, %add3A_156 : vector<16xi32>
    %gather3A_158 = tpu.vector_load_idx %arg11[%add3A_157] : memref<768xi32, #tpu.memory_space<vmem>>[vector<16xi32>], vector<16xi32>,
    %swap3A_159 = arith.constant 4 : i32
    %swap3A_160 = arith.constant 0 : i32
    %swap3A_161 = arith.index_cast %swap3A_159 : i32 to index
    %swap3A_162 = arith.index_cast %swap3A_160 : i32 to index
    %swap3A_163 = arith.constant 32 : index
    %swap3A_164 = tpu.vector_load %arg12[%swap3A_161, %swap3A_162, %swap3A_163] {strides = array<i32>} : memref<5x2x128xi32, #tpu.memory_space<vmem>>, vector<16xi32>,
    tpu.vector_store %arg12[%swap3A_161, %swap3A_162, %swap3A_163], %gather3A_158 {strides = array<i32>} : memref<5x2x128xi32, #tpu.memory_space<vmem>>, vector<16xi32>,
    %add3A_165 = arith.constant 144 : i32
    %add3A_166 = vector.broadcast %add3A_165 : i32 to vector<16xi32>
    %add3A_167 = arith.addi %mul3A_7, %add3A_166 : vector<16xi32>
    %add3A_168 = arith.constant 0 : i32
    %add3A_169 = vector.broadcast %add3A_168 : i32 to vector<16xi32>
    %add3A_170 = arith.addi %add3A_167, %add3A_169 : vector<16xi32>
    %gather3A_171 = tpu.vector_load_idx %arg10[%add3A_170] : memref<768xi32, #tpu.memory_space<vmem>>[vector<16xi32>], vector<16xi32>,
    %swap3A_172 = arith.constant 0 : i32
    %swap3A_173 = arith.constant 0 : i32
    %swap3A_174 = arith.index_cast %swap3A_172 : i32 to index
    %swap3A_175 = arith.index_cast %swap3A_173 : i32 to index
    %swap3A_176 = arith.constant 48 : index
    %swap3A_177 = tpu.vector_load %arg12[%swap3A_174, %swap3A_175, %swap3A_176] {strides = array<i32>} : memref<5x2x128xi32, #tpu.memory_space<vmem>>, vector<16xi32>,
    tpu.vector_store %arg12[%swap3A_174, %swap3A_175, %swap3A_176], %gather3A_171 {strides = array<i32>} : memref<5x2x128xi32, #tpu.memory_space<vmem>>, vector<16xi32>,
    %add3A_178 = arith.constant 1 : i32
    %add3A_179 = vector.broadcast %add3A_178 : i32 to vector<16xi32>
    %add3A_180 = arith.addi %add3A_167, %add3A_179 : vector<16xi32>
    %gather3A_181 = tpu.vector_load_idx %arg10[%add3A_180] : memref<768xi32, #tpu.memory_space<vmem>>[vector<16xi32>], vector<16xi32>,
    %swap3A_182 = arith.constant 1 : i32
    %swap3A_183 = arith.constant 0 : i32
    %swap3A_184 = arith.index_cast %swap3A_182 : i32 to index
    %swap3A_185 = arith.index_cast %swap3A_183 : i32 to index
    %swap3A_186 = arith.constant 48 : index
    %swap3A_187 = tpu.vector_load %arg12[%swap3A_184, %swap3A_185, %swap3A_186] {strides = array<i32>} : memref<5x2x128xi32, #tpu.memory_space<vmem>>, vector<16xi32>,
    tpu.vector_store %arg12[%swap3A_184, %swap3A_185, %swap3A_186], %gather3A_181 {strides = array<i32>} : memref<5x2x128xi32, #tpu.memory_space<vmem>>, vector<16xi32>,
    %add3A_188 = arith.constant 2 : i32
    %add3A_189 = vector.broadcast %add3A_188 : i32 to vector<16xi32>
    %add3A_190 = arith.addi %add3A_167, %add3A_189 : vector<16xi32>
    %gather3A_191 = tpu.vector_load_idx %arg10[%add3A_190] : memref<768xi32, #tpu.memory_space<vmem>>[vector<16xi32>], vector<16xi32>,
    %swap3A_192 = arith.constant 2 : i32
    %swap3A_193 = arith.constant 0 : i32
    %swap3A_194 = arith.index_cast %swap3A_192 : i32 to index
    %swap3A_195 = arith.index_cast %swap3A_193 : i32 to index
    %swap3A_196 = arith.constant 48 : index
    %swap3A_197 = tpu.vector_load %arg12[%swap3A_194, %swap3A_195, %swap3A_196] {strides = array<i32>} : memref<5x2x128xi32, #tpu.memory_space<vmem>>, vector<16xi32>,
    tpu.vector_store %arg12[%swap3A_194, %swap3A_195, %swap3A_196], %gather3A_191 {strides = array<i32>} : memref<5x2x128xi32, #tpu.memory_space<vmem>>, vector<16xi32>,
    %add3A_198 = arith.constant 0 : i32
    %add3A_199 = vector.broadcast %add3A_198 : i32 to vector<16xi32>
    %add3A_200 = arith.addi %add3A_167, %add3A_199 : vector<16xi32>
    %gather3A_201 = tpu.vector_load_idx %arg11[%add3A_200] : memref<768xi32, #tpu.memory_space<vmem>>[vector<16xi32>], vector<16xi32>,
    %swap3A_202 = arith.constant 3 : i32
    %swap3A_203 = arith.constant 0 : i32
    %swap3A_204 = arith.index_cast %swap3A_202 : i32 to index
    %swap3A_205 = arith.index_cast %swap3A_203 : i32 to index
    %swap3A_206 = arith.constant 48 : index
    %swap3A_207 = tpu.vector_load %arg12[%swap3A_204, %swap3A_205, %swap3A_206] {strides = array<i32>} : memref<5x2x128xi32, #tpu.memory_space<vmem>>, vector<16xi32>,
    tpu.vector_store %arg12[%swap3A_204, %swap3A_205, %swap3A_206], %gather3A_201 {strides = array<i32>} : memref<5x2x128xi32, #tpu.memory_space<vmem>>, vector<16xi32>,
    %add3A_208 = arith.constant 2 : i32
    %add3A_209 = vector.broadcast %add3A_208 : i32 to vector<16xi32>
    %add3A_210 = arith.addi %add3A_167, %add3A_209 : vector<16xi32>
    %gather3A_211 = tpu.vector_load_idx %arg11[%add3A_210] : memref<768xi32, #tpu.memory_space<vmem>>[vector<16xi32>], vector<16xi32>,
    %swap3A_212 = arith.constant 4 : i32
    %swap3A_213 = arith.constant 0 : i32
    %swap3A_214 = arith.index_cast %swap3A_212 : i32 to index
    %swap3A_215 = arith.index_cast %swap3A_213 : i32 to index
    %swap3A_216 = arith.constant 48 : index
    %swap3A_217 = tpu.vector_load %arg12[%swap3A_214, %swap3A_215, %swap3A_216] {strides = array<i32>} : memref<5x2x128xi32, #tpu.memory_space<vmem>>, vector<16xi32>,
    tpu.vector_store %arg12[%swap3A_214, %swap3A_215, %swap3A_216], %gather3A_211 {strides = array<i32>} : memref<5x2x128xi32, #tpu.memory_space<vmem>>, vector<16xi32>,
    %add3A_218 = arith.constant 192 : i32
    %add3A_219 = vector.broadcast %add3A_218 : i32 to vector<16xi32>
    %add3A_220 = arith.addi %mul3A_7, %add3A_219 : vector<16xi32>
    %add3A_221 = arith.constant 0 : i32
    %add3A_222 = vector.broadcast %add3A_221 : i32 to vector<16xi32>
    %add3A_223 = arith.addi %add3A_220, %add3A_222 : vector<16xi32>
    %gather3A_224 = tpu.vector_load_idx %arg10[%add3A_223] : memref<768xi32, #tpu.memory_space<vmem>>[vector<16xi32>], vector<16xi32>,
    %swap3A_225 = arith.constant 0 : i32
    %swap3A_226 = arith.constant 0 : i32
    %swap3A_227 = arith.index_cast %swap3A_225 : i32 to index
    %swap3A_228 = arith.index_cast %swap3A_226 : i32 to index
    %swap3A_229 = arith.constant 64 : index
    %swap3A_230 = tpu.vector_load %arg12[%swap3A_227, %swap3A_228, %swap3A_229] {strides = array<i32>} : memref<5x2x128xi32, #tpu.memory_space<vmem>>, vector<16xi32>,
    tpu.vector_store %arg12[%swap3A_227, %swap3A_228, %swap3A_229], %gather3A_224 {strides = array<i32>} : memref<5x2x128xi32, #tpu.memory_space<vmem>>, vector<16xi32>,
    %add3A_231 = arith.constant 1 : i32
    %add3A_232 = vector.broadcast %add3A_231 : i32 to vector<16xi32>
    %add3A_233 = arith.addi %add3A_220, %add3A_232 : vector<16xi32>
    %gather3A_234 = tpu.vector_load_idx %arg10[%add3A_233] : memref<768xi32, #tpu.memory_space<vmem>>[vector<16xi32>], vector<16xi32>,
    %swap3A_235 = arith.constant 1 : i32
    %swap3A_236 = arith.constant 0 : i32
    %swap3A_237 = arith.index_cast %swap3A_235 : i32 to index
    %swap3A_238 = arith.index_cast %swap3A_236 : i32 to index
    %swap3A_239 = arith.constant 64 : index
    %swap3A_240 = tpu.vector_load %arg12[%swap3A_237, %swap3A_238, %swap3A_239] {strides = array<i32>} : memref<5x2x128xi32, #tpu.memory_space<vmem>>, vector<16xi32>,
    tpu.vector_store %arg12[%swap3A_237, %swap3A_238, %swap3A_239], %gather3A_234 {strides = array<i32>} : memref<5x2x128xi32, #tpu.memory_space<vmem>>, vector<16xi32>,
    %add3A_241 = arith.constant 2 : i32
    %add3A_242 = vector.broadcast %add3A_241 : i32 to vector<16xi32>
    %add3A_243 = arith.addi %add3A_220, %add3A_242 : vector<16xi32>
    %gather3A_244 = tpu.vector_load_idx %arg10[%add3A_243] : memref<768xi32, #tpu.memory_space<vmem>>[vector<16xi32>], vector<16xi32>,
    %swap3A_245 = arith.constant 2 : i32
    %swap3A_246 = arith.constant 0 : i32
    %swap3A_247 = arith.index_cast %swap3A_245 : i32 to index
    %swap3A_248 = arith.index_cast %swap3A_246 : i32 to index
    %swap3A_249 = arith.constant 64 : index
    %swap3A_250 = tpu.vector_load %arg12[%swap3A_247, %swap3A_248, %swap3A_249] {strides = array<i32>} : memref<5x2x128xi32, #tpu.memory_space<vmem>>, vector<16xi32>,
    tpu.vector_store %arg12[%swap3A_247, %swap3A_248, %swap3A_249], %gather3A_244 {strides = array<i32>} : memref<5x2x128xi32, #tpu.memory_space<vmem>>, vector<16xi32>,
    %add3A_251 = arith.constant 0 : i32
    %add3A_252 = vector.broadcast %add3A_251 : i32 to vector<16xi32>
    %add3A_253 = arith.addi %add3A_220, %add3A_252 : vector<16xi32>
    %gather3A_254 = tpu.vector_load_idx %arg11[%add3A_253] : memref<768xi32, #tpu.memory_space<vmem>>[vector<16xi32>], vector<16xi32>,
    %swap3A_255 = arith.constant 3 : i32
    %swap3A_256 = arith.constant 0 : i32
    %swap3A_257 = arith.index_cast %swap3A_255 : i32 to index
    %swap3A_258 = arith.index_cast %swap3A_256 : i32 to index
    %swap3A_259 = arith.constant 64 : index
    %swap3A_260 = tpu.vector_load %arg12[%swap3A_257, %swap3A_258, %swap3A_259] {strides = array<i32>} : memref<5x2x128xi32, #tpu.memory_space<vmem>>, vector<16xi32>,
    tpu.vector_store %arg12[%swap3A_257, %swap3A_258, %swap3A_259], %gather3A_254 {strides = array<i32>} : memref<5x2x128xi32, #tpu.memory_space<vmem>>, vector<16xi32>,
    %add3A_261 = arith.constant 2 : i32
    %add3A_262 = vector.broadcast %add3A_261 : i32 to vector<16xi32>
    %add3A_263 = arith.addi %add3A_220, %add3A_262 : vector<16xi32>
    %gather3A_264 = tpu.vector_load_idx %arg11[%add3A_263] : memref<768xi32, #tpu.memory_space<vmem>>[vector<16xi32>], vector<16xi32>,
    %swap3A_265 = arith.constant 4 : i32
    %swap3A_266 = arith.constant 0 : i32
    %swap3A_267 = arith.index_cast %swap3A_265 : i32 to index
    %swap3A_268 = arith.index_cast %swap3A_266 : i32 to index
    %swap3A_269 = arith.constant 64 : index
    %swap3A_270 = tpu.vector_load %arg12[%swap3A_267, %swap3A_268, %swap3A_269] {strides = array<i32>} : memref<5x2x128xi32, #tpu.memory_space<vmem>>, vector<16xi32>,
    tpu.vector_store %arg12[%swap3A_267, %swap3A_268, %swap3A_269], %gather3A_264 {strides = array<i32>} : memref<5x2x128xi32, #tpu.memory_space<vmem>>, vector<16xi32>,
    %add3A_271 = arith.constant 240 : i32
    %add3A_272 = vector.broadcast %add3A_271 : i32 to vector<16xi32>
    %add3A_273 = arith.addi %mul3A_7, %add3A_272 : vector<16xi32>
    %add3A_274 = arith.constant 0 : i32
    %add3A_275 = vector.broadcast %add3A_274 : i32 to vector<16xi32>
    %add3A_276 = arith.addi %add3A_273, %add3A_275 : vector<16xi32>
    %gather3A_277 = tpu.vector_load_idx %arg10[%add3A_276] : memref<768xi32, #tpu.memory_space<vmem>>[vector<16xi32>], vector<16xi32>,
    %swap3A_278 = arith.constant 0 : i32
    %swap3A_279 = arith.constant 0 : i32
    %swap3A_280 = arith.index_cast %swap3A_278 : i32 to index
    %swap3A_281 = arith.index_cast %swap3A_279 : i32 to index
    %swap3A_282 = arith.constant 80 : index
    %swap3A_283 = tpu.vector_load %arg12[%swap3A_280, %swap3A_281, %swap3A_282] {strides = array<i32>} : memref<5x2x128xi32, #tpu.memory_space<vmem>>, vector<16xi32>,
    tpu.vector_store %arg12[%swap3A_280, %swap3A_281, %swap3A_282], %gather3A_277 {strides = array<i32>} : memref<5x2x128xi32, #tpu.memory_space<vmem>>, vector<16xi32>,
    %add3A_284 = arith.constant 1 : i32
    %add3A_285 = vector.broadcast %add3A_284 : i32 to vector<16xi32>
    %add3A_286 = arith.addi %add3A_273, %add3A_285 : vector<16xi32>
    %gather3A_287 = tpu.vector_load_idx %arg10[%add3A_286] : memref<768xi32, #tpu.memory_space<vmem>>[vector<16xi32>], vector<16xi32>,
    %swap3A_288 = arith.constant 1 : i32
    %swap3A_289 = arith.constant 0 : i32
    %swap3A_290 = arith.index_cast %swap3A_288 : i32 to index
    %swap3A_291 = arith.index_cast %swap3A_289 : i32 to index
    %swap3A_292 = arith.constant 80 : index
    %swap3A_293 = tpu.vector_load %arg12[%swap3A_290, %swap3A_291, %swap3A_292] {strides = array<i32>} : memref<5x2x128xi32, #tpu.memory_space<vmem>>, vector<16xi32>,
    tpu.vector_store %arg12[%swap3A_290, %swap3A_291, %swap3A_292], %gather3A_287 {strides = array<i32>} : memref<5x2x128xi32, #tpu.memory_space<vmem>>, vector<16xi32>,
    %add3A_294 = arith.constant 2 : i32
    %add3A_295 = vector.broadcast %add3A_294 : i32 to vector<16xi32>
    %add3A_296 = arith.addi %add3A_273, %add3A_295 : vector<16xi32>
    %gather3A_297 = tpu.vector_load_idx %arg10[%add3A_296] : memref<768xi32, #tpu.memory_space<vmem>>[vector<16xi32>], vector<16xi32>,
    %swap3A_298 = arith.constant 2 : i32
    %swap3A_299 = arith.constant 0 : i32
    %swap3A_300 = arith.index_cast %swap3A_298 : i32 to index
    %swap3A_301 = arith.index_cast %swap3A_299 : i32 to index
    %swap3A_302 = arith.constant 80 : index
    %swap3A_303 = tpu.vector_load %arg12[%swap3A_300, %swap3A_301, %swap3A_302] {strides = array<i32>} : memref<5x2x128xi32, #tpu.memory_space<vmem>>, vector<16xi32>,
    tpu.vector_store %arg12[%swap3A_300, %swap3A_301, %swap3A_302], %gather3A_297 {strides = array<i32>} : memref<5x2x128xi32, #tpu.memory_space<vmem>>, vector<16xi32>,
    %add3A_304 = arith.constant 0 : i32
    %add3A_305 = vector.broadcast %add3A_304 : i32 to vector<16xi32>
    %add3A_306 = arith.addi %add3A_273, %add3A_305 : vector<16xi32>
    %gather3A_307 = tpu.vector_load_idx %arg11[%add3A_306] : memref<768xi32, #tpu.memory_space<vmem>>[vector<16xi32>], vector<16xi32>,
    %swap3A_308 = arith.constant 3 : i32
    %swap3A_309 = arith.constant 0 : i32
    %swap3A_310 = arith.index_cast %swap3A_308 : i32 to index
    %swap3A_311 = arith.index_cast %swap3A_309 : i32 to index
    %swap3A_312 = arith.constant 80 : index
    %swap3A_313 = tpu.vector_load %arg12[%swap3A_310, %swap3A_311, %swap3A_312] {strides = array<i32>} : memref<5x2x128xi32, #tpu.memory_space<vmem>>, vector<16xi32>,
    tpu.vector_store %arg12[%swap3A_310, %swap3A_311, %swap3A_312], %gather3A_307 {strides = array<i32>} : memref<5x2x128xi32, #tpu.memory_space<vmem>>, vector<16xi32>,
    %add3A_314 = arith.constant 2 : i32
    %add3A_315 = vector.broadcast %add3A_314 : i32 to vector<16xi32>
    %add3A_316 = arith.addi %add3A_273, %add3A_315 : vector<16xi32>
    %gather3A_317 = tpu.vector_load_idx %arg11[%add3A_316] : memref<768xi32, #tpu.memory_space<vmem>>[vector<16xi32>], vector<16xi32>,
    %swap3A_318 = arith.constant 4 : i32
    %swap3A_319 = arith.constant 0 : i32
    %swap3A_320 = arith.index_cast %swap3A_318 : i32 to index
    %swap3A_321 = arith.index_cast %swap3A_319 : i32 to index
    %swap3A_322 = arith.constant 80 : index
    %swap3A_323 = tpu.vector_load %arg12[%swap3A_320, %swap3A_321, %swap3A_322] {strides = array<i32>} : memref<5x2x128xi32, #tpu.memory_space<vmem>>, vector<16xi32>,
    tpu.vector_store %arg12[%swap3A_320, %swap3A_321, %swap3A_322], %gather3A_317 {strides = array<i32>} : memref<5x2x128xi32, #tpu.memory_space<vmem>>, vector<16xi32>,
    %add3A_324 = arith.constant 288 : i32
    %add3A_325 = vector.broadcast %add3A_324 : i32 to vector<16xi32>
    %add3A_326 = arith.addi %mul3A_7, %add3A_325 : vector<16xi32>
    %add3A_327 = arith.constant 0 : i32
    %add3A_328 = vector.broadcast %add3A_327 : i32 to vector<16xi32>
    %add3A_329 = arith.addi %add3A_326, %add3A_328 : vector<16xi32>
    %gather3A_330 = tpu.vector_load_idx %arg10[%add3A_329] : memref<768xi32, #tpu.memory_space<vmem>>[vector<16xi32>], vector<16xi32>,
    %swap3A_331 = arith.constant 0 : i32
    %swap3A_332 = arith.constant 0 : i32
    %swap3A_333 = arith.index_cast %swap3A_331 : i32 to index
    %swap3A_334 = arith.index_cast %swap3A_332 : i32 to index
    %swap3A_335 = arith.constant 96 : index
    %swap3A_336 = tpu.vector_load %arg12[%swap3A_333, %swap3A_334, %swap3A_335] {strides = array<i32>} : memref<5x2x128xi32, #tpu.memory_space<vmem>>, vector<16xi32>,
    tpu.vector_store %arg12[%swap3A_333, %swap3A_334, %swap3A_335], %gather3A_330 {strides = array<i32>} : memref<5x2x128xi32, #tpu.memory_space<vmem>>, vector<16xi32>,
    %add3A_337 = arith.constant 1 : i32
    %add3A_338 = vector.broadcast %add3A_337 : i32 to vector<16xi32>
    %add3A_339 = arith.addi %add3A_326, %add3A_338 : vector<16xi32>
    %gather3A_340 = tpu.vector_load_idx %arg10[%add3A_339] : memref<768xi32, #tpu.memory_space<vmem>>[vector<16xi32>], vector<16xi32>,
    %swap3A_341 = arith.constant 1 : i32
    %swap3A_342 = arith.constant 0 : i32
    %swap3A_343 = arith.index_cast %swap3A_341 : i32 to index
    %swap3A_344 = arith.index_cast %swap3A_342 : i32 to index
    %swap3A_345 = arith.constant 96 : index
    %swap3A_346 = tpu.vector_load %arg12[%swap3A_343, %swap3A_344, %swap3A_345] {strides = array<i32>} : memref<5x2x128xi32, #tpu.memory_space<vmem>>, vector<16xi32>,
    tpu.vector_store %arg12[%swap3A_343, %swap3A_344, %swap3A_345], %gather3A_340 {strides = array<i32>} : memref<5x2x128xi32, #tpu.memory_space<vmem>>, vector<16xi32>,
    %add3A_347 = arith.constant 2 : i32
    %add3A_348 = vector.broadcast %add3A_347 : i32 to vector<16xi32>
    %add3A_349 = arith.addi %add3A_326, %add3A_348 : vector<16xi32>
    %gather3A_350 = tpu.vector_load_idx %arg10[%add3A_349] : memref<768xi32, #tpu.memory_space<vmem>>[vector<16xi32>], vector<16xi32>,
    %swap3A_351 = arith.constant 2 : i32
    %swap3A_352 = arith.constant 0 : i32
    %swap3A_353 = arith.index_cast %swap3A_351 : i32 to index
    %swap3A_354 = arith.index_cast %swap3A_352 : i32 to index
    %swap3A_355 = arith.constant 96 : index
    %swap3A_356 = tpu.vector_load %arg12[%swap3A_353, %swap3A_354, %swap3A_355] {strides = array<i32>} : memref<5x2x128xi32, #tpu.memory_space<vmem>>, vector<16xi32>,
    tpu.vector_store %arg12[%swap3A_353, %swap3A_354, %swap3A_355], %gather3A_350 {strides = array<i32>} : memref<5x2x128xi32, #tpu.memory_space<vmem>>, vector<16xi32>,
    %add3A_357 = arith.constant 0 : i32
    %add3A_358 = vector.broadcast %add3A_357 : i32 to vector<16xi32>
    %add3A_359 = arith.addi %add3A_326, %add3A_358 : vector<16xi32>
    %gather3A_360 = tpu.vector_load_idx %arg11[%add3A_359] : memref<768xi32, #tpu.memory_space<vmem>>[vector<16xi32>], vector<16xi32>,
    %swap3A_361 = arith.constant 3 : i32
    %swap3A_362 = arith.constant 0 : i32
    %swap3A_363 = arith.index_cast %swap3A_361 : i32 to index
    %swap3A_364 = arith.index_cast %swap3A_362 : i32 to index
    %swap3A_365 = arith.constant 96 : index
    %swap3A_366 = tpu.vector_load %arg12[%swap3A_363, %swap3A_364, %swap3A_365] {strides = array<i32>} : memref<5x2x128xi32, #tpu.memory_space<vmem>>, vector<16xi32>,
    tpu.vector_store %arg12[%swap3A_363, %swap3A_364, %swap3A_365], %gather3A_360 {strides = array<i32>} : memref<5x2x128xi32, #tpu.memory_space<vmem>>, vector<16xi32>,
    %add3A_367 = arith.constant 2 : i32
    %add3A_368 = vector.broadcast %add3A_367 : i32 to vector<16xi32>
    %add3A_369 = arith.addi %add3A_326, %add3A_368 : vector<16xi32>
    %gather3A_370 = tpu.vector_load_idx %arg11[%add3A_369] : memref<768xi32, #tpu.memory_space<vmem>>[vector<16xi32>], vector<16xi32>,
    %swap3A_371 = arith.constant 4 : i32
    %swap3A_372 = arith.constant 0 : i32
    %swap3A_373 = arith.index_cast %swap3A_371 : i32 to index
    %swap3A_374 = arith.index_cast %swap3A_372 : i32 to index
    %swap3A_375 = arith.constant 96 : index
    %swap3A_376 = tpu.vector_load %arg12[%swap3A_373, %swap3A_374, %swap3A_375] {strides = array<i32>} : memref<5x2x128xi32, #tpu.memory_space<vmem>>, vector<16xi32>,
    tpu.vector_store %arg12[%swap3A_373, %swap3A_374, %swap3A_375], %gather3A_370 {strides = array<i32>} : memref<5x2x128xi32, #tpu.memory_space<vmem>>, vector<16xi32>,
    %add3A_377 = arith.constant 336 : i32
    %add3A_378 = vector.broadcast %add3A_377 : i32 to vector<16xi32>
    %add3A_379 = arith.addi %mul3A_7, %add3A_378 : vector<16xi32>
    %add3A_380 = arith.constant 0 : i32
    %add3A_381 = vector.broadcast %add3A_380 : i32 to vector<16xi32>
    %add3A_382 = arith.addi %add3A_379, %add3A_381 : vector<16xi32>
    %gather3A_383 = tpu.vector_load_idx %arg10[%add3A_382] : memref<768xi32, #tpu.memory_space<vmem>>[vector<16xi32>], vector<16xi32>,
    %swap3A_384 = arith.constant 0 : i32
    %swap3A_385 = arith.constant 0 : i32
    %swap3A_386 = arith.index_cast %swap3A_384 : i32 to index
    %swap3A_387 = arith.index_cast %swap3A_385 : i32 to index
    %swap3A_388 = arith.constant 112 : index
    %swap3A_389 = tpu.vector_load %arg12[%swap3A_386, %swap3A_387, %swap3A_388] {strides = array<i32>} : memref<5x2x128xi32, #tpu.memory_space<vmem>>, vector<16xi32>,
    tpu.vector_store %arg12[%swap3A_386, %swap3A_387, %swap3A_388], %gather3A_383 {strides = array<i32>} : memref<5x2x128xi32, #tpu.memory_space<vmem>>, vector<16xi32>,
    %add3A_390 = arith.constant 1 : i32
    %add3A_391 = vector.broadcast %add3A_390 : i32 to vector<16xi32>
    %add3A_392 = arith.addi %add3A_379, %add3A_391 : vector<16xi32>
    %gather3A_393 = tpu.vector_load_idx %arg10[%add3A_392] : memref<768xi32, #tpu.memory_space<vmem>>[vector<16xi32>], vector<16xi32>,
    %swap3A_394 = arith.constant 1 : i32
    %swap3A_395 = arith.constant 0 : i32
    %swap3A_396 = arith.index_cast %swap3A_394 : i32 to index
    %swap3A_397 = arith.index_cast %swap3A_395 : i32 to index
    %swap3A_398 = arith.constant 112 : index
    %swap3A_399 = tpu.vector_load %arg12[%swap3A_396, %swap3A_397, %swap3A_398] {strides = array<i32>} : memref<5x2x128xi32, #tpu.memory_space<vmem>>, vector<16xi32>,
    tpu.vector_store %arg12[%swap3A_396, %swap3A_397, %swap3A_398], %gather3A_393 {strides = array<i32>} : memref<5x2x128xi32, #tpu.memory_space<vmem>>, vector<16xi32>,
    %add3A_400 = arith.constant 2 : i32
    %add3A_401 = vector.broadcast %add3A_400 : i32 to vector<16xi32>
    %add3A_402 = arith.addi %add3A_379, %add3A_401 : vector<16xi32>
    %gather3A_403 = tpu.vector_load_idx %arg10[%add3A_402] : memref<768xi32, #tpu.memory_space<vmem>>[vector<16xi32>], vector<16xi32>,
    %swap3A_404 = arith.constant 2 : i32
    %swap3A_405 = arith.constant 0 : i32
    %swap3A_406 = arith.index_cast %swap3A_404 : i32 to index
    %swap3A_407 = arith.index_cast %swap3A_405 : i32 to index
    %swap3A_408 = arith.constant 112 : index
    %swap3A_409 = tpu.vector_load %arg12[%swap3A_406, %swap3A_407, %swap3A_408] {strides = array<i32>} : memref<5x2x128xi32, #tpu.memory_space<vmem>>, vector<16xi32>,
    tpu.vector_store %arg12[%swap3A_406, %swap3A_407, %swap3A_408], %gather3A_403 {strides = array<i32>} : memref<5x2x128xi32, #tpu.memory_space<vmem>>, vector<16xi32>,
    %add3A_410 = arith.constant 0 : i32
    %add3A_411 = vector.broadcast %add3A_410 : i32 to vector<16xi32>
    %add3A_412 = arith.addi %add3A_379, %add3A_411 : vector<16xi32>
    %gather3A_413 = tpu.vector_load_idx %arg11[%add3A_412] : memref<768xi32, #tpu.memory_space<vmem>>[vector<16xi32>], vector<16xi32>,
    %swap3A_414 = arith.constant 3 : i32
    %swap3A_415 = arith.constant 0 : i32
    %swap3A_416 = arith.index_cast %swap3A_414 : i32 to index
    %swap3A_417 = arith.index_cast %swap3A_415 : i32 to index
    %swap3A_418 = arith.constant 112 : index
    %swap3A_419 = tpu.vector_load %arg12[%swap3A_416, %swap3A_417, %swap3A_418] {strides = array<i32>} : memref<5x2x128xi32, #tpu.memory_space<vmem>>, vector<16xi32>,
    tpu.vector_store %arg12[%swap3A_416, %swap3A_417, %swap3A_418], %gather3A_413 {strides = array<i32>} : memref<5x2x128xi32, #tpu.memory_space<vmem>>, vector<16xi32>,
    %add3A_420 = arith.constant 2 : i32
    %add3A_421 = vector.broadcast %add3A_420 : i32 to vector<16xi32>
    %add3A_422 = arith.addi %add3A_379, %add3A_421 : vector<16xi32>
    %gather3A_423 = tpu.vector_load_idx %arg11[%add3A_422] : memref<768xi32, #tpu.memory_space<vmem>>[vector<16xi32>], vector<16xi32>,
    %swap3A_424 = arith.constant 4 : i32
    %swap3A_425 = arith.constant 0 : i32
    %swap3A_426 = arith.index_cast %swap3A_424 : i32 to index
    %swap3A_427 = arith.index_cast %swap3A_425 : i32 to index
    %swap3A_428 = arith.constant 112 : index
    %swap3A_429 = tpu.vector_load %arg12[%swap3A_426, %swap3A_427, %swap3A_428] {strides = array<i32>} : memref<5x2x128xi32, #tpu.memory_space<vmem>>, vector<16xi32>,
    tpu.vector_store %arg12[%swap3A_426, %swap3A_427, %swap3A_428], %gather3A_423 {strides = array<i32>} : memref<5x2x128xi32, #tpu.memory_space<vmem>>, vector<16xi32>,
    %add3A_430 = arith.constant 384 : i32
    %add3A_431 = vector.broadcast %add3A_430 : i32 to vector<16xi32>
    %add3A_432 = arith.addi %mul3A_7, %add3A_431 : vector<16xi32>
    %add3A_433 = arith.constant 0 : i32
    %add3A_434 = vector.broadcast %add3A_433 : i32 to vector<16xi32>
    %add3A_435 = arith.addi %add3A_432, %add3A_434 : vector<16xi32>
    %gather3A_436 = tpu.vector_load_idx %arg10[%add3A_435] : memref<768xi32, #tpu.memory_space<vmem>>[vector<16xi32>], vector<16xi32>,
    %swap3A_437 = arith.constant 0 : i32
    %swap3A_438 = arith.constant 1 : i32
    %swap3A_439 = arith.index_cast %swap3A_437 : i32 to index
    %swap3A_440 = arith.index_cast %swap3A_438 : i32 to index
    %swap3A_441 = arith.constant 0 : index
    %swap3A_442 = tpu.vector_load %arg12[%swap3A_439, %swap3A_440, %swap3A_441] {strides = array<i32>} : memref<5x2x128xi32, #tpu.memory_space<vmem>>, vector<16xi32>,
    tpu.vector_store %arg12[%swap3A_439, %swap3A_440, %swap3A_441], %gather3A_436 {strides = array<i32>} : memref<5x2x128xi32, #tpu.memory_space<vmem>>, vector<16xi32>,
    %add3A_443 = arith.constant 1 : i32
    %add3A_444 = vector.broadcast %add3A_443 : i32 to vector<16xi32>
    %add3A_445 = arith.addi %add3A_432, %add3A_444 : vector<16xi32>
    %gather3A_446 = tpu.vector_load_idx %arg10[%add3A_445] : memref<768xi32, #tpu.memory_space<vmem>>[vector<16xi32>], vector<16xi32>,
    %swap3A_447 = arith.constant 1 : i32
    %swap3A_448 = arith.constant 1 : i32
    %swap3A_449 = arith.index_cast %swap3A_447 : i32 to index
    %swap3A_450 = arith.index_cast %swap3A_448 : i32 to index
    %swap3A_451 = arith.constant 0 : index
    %swap3A_452 = tpu.vector_load %arg12[%swap3A_449, %swap3A_450, %swap3A_451] {strides = array<i32>} : memref<5x2x128xi32, #tpu.memory_space<vmem>>, vector<16xi32>,
    tpu.vector_store %arg12[%swap3A_449, %swap3A_450, %swap3A_451], %gather3A_446 {strides = array<i32>} : memref<5x2x128xi32, #tpu.memory_space<vmem>>, vector<16xi32>,
    %add3A_453 = arith.constant 2 : i32
    %add3A_454 = vector.broadcast %add3A_453 : i32 to vector<16xi32>
    %add3A_455 = arith.addi %add3A_432, %add3A_454 : vector<16xi32>
    %gather3A_456 = tpu.vector_load_idx %arg10[%add3A_455] : memref<768xi32, #tpu.memory_space<vmem>>[vector<16xi32>], vector<16xi32>,
    %swap3A_457 = arith.constant 2 : i32
    %swap3A_458 = arith.constant 1 : i32
    %swap3A_459 = arith.index_cast %swap3A_457 : i32 to index
    %swap3A_460 = arith.index_cast %swap3A_458 : i32 to index
    %swap3A_461 = arith.constant 0 : index
    %swap3A_462 = tpu.vector_load %arg12[%swap3A_459, %swap3A_460, %swap3A_461] {strides = array<i32>} : memref<5x2x128xi32, #tpu.memory_space<vmem>>, vector<16xi32>,
    tpu.vector_store %arg12[%swap3A_459, %swap3A_460, %swap3A_461], %gather3A_456 {strides = array<i32>} : memref<5x2x128xi32, #tpu.memory_space<vmem>>, vector<16xi32>,
    %add3A_463 = arith.constant 0 : i32
    %add3A_464 = vector.broadcast %add3A_463 : i32 to vector<16xi32>
    %add3A_465 = arith.addi %add3A_432, %add3A_464 : vector<16xi32>
    %gather3A_466 = tpu.vector_load_idx %arg11[%add3A_465] : memref<768xi32, #tpu.memory_space<vmem>>[vector<16xi32>], vector<16xi32>,
    %swap3A_467 = arith.constant 3 : i32
    %swap3A_468 = arith.constant 1 : i32
    %swap3A_469 = arith.index_cast %swap3A_467 : i32 to index
    %swap3A_470 = arith.index_cast %swap3A_468 : i32 to index
    %swap3A_471 = arith.constant 0 : index
    %swap3A_472 = tpu.vector_load %arg12[%swap3A_469, %swap3A_470, %swap3A_471] {strides = array<i32>} : memref<5x2x128xi32, #tpu.memory_space<vmem>>, vector<16xi32>,
    tpu.vector_store %arg12[%swap3A_469, %swap3A_470, %swap3A_471], %gather3A_466 {strides = array<i32>} : memref<5x2x128xi32, #tpu.memory_space<vmem>>, vector<16xi32>,
    %add3A_473 = arith.constant 2 : i32
    %add3A_474 = vector.broadcast %add3A_473 : i32 to vector<16xi32>
    %add3A_475 = arith.addi %add3A_432, %add3A_474 : vector<16xi32>
    %gather3A_476 = tpu.vector_load_idx %arg11[%add3A_475] : memref<768xi32, #tpu.memory_space<vmem>>[vector<16xi32>], vector<16xi32>,
    %swap3A_477 = arith.constant 4 : i32
    %swap3A_478 = arith.constant 1 : i32
    %swap3A_479 = arith.index_cast %swap3A_477 : i32 to index
    %swap3A_480 = arith.index_cast %swap3A_478 : i32 to index
    %swap3A_481 = arith.constant 0 : index
    %swap3A_482 = tpu.vector_load %arg12[%swap3A_479, %swap3A_480, %swap3A_481] {strides = array<i32>} : memref<5x2x128xi32, #tpu.memory_space<vmem>>, vector<16xi32>,
    tpu.vector_store %arg12[%swap3A_479, %swap3A_480, %swap3A_481], %gather3A_476 {strides = array<i32>} : memref<5x2x128xi32, #tpu.memory_space<vmem>>, vector<16xi32>,
    %add3A_483 = arith.constant 432 : i32
    %add3A_484 = vector.broadcast %add3A_483 : i32 to vector<16xi32>
    %add3A_485 = arith.addi %mul3A_7, %add3A_484 : vector<16xi32>
    %add3A_486 = arith.constant 0 : i32
    %add3A_487 = vector.broadcast %add3A_486 : i32 to vector<16xi32>
    %add3A_488 = arith.addi %add3A_485, %add3A_487 : vector<16xi32>
    %gather3A_489 = tpu.vector_load_idx %arg10[%add3A_488] : memref<768xi32, #tpu.memory_space<vmem>>[vector<16xi32>], vector<16xi32>,
    %swap3A_490 = arith.constant 0 : i32
    %swap3A_491 = arith.constant 1 : i32
    %swap3A_492 = arith.index_cast %swap3A_490 : i32 to index
    %swap3A_493 = arith.index_cast %swap3A_491 : i32 to index
    %swap3A_494 = arith.constant 16 : index
    %swap3A_495 = tpu.vector_load %arg12[%swap3A_492, %swap3A_493, %swap3A_494] {strides = array<i32>} : memref<5x2x128xi32, #tpu.memory_space<vmem>>, vector<16xi32>,
    tpu.vector_store %arg12[%swap3A_492, %swap3A_493, %swap3A_494], %gather3A_489 {strides = array<i32>} : memref<5x2x128xi32, #tpu.memory_space<vmem>>, vector<16xi32>,
    %add3A_496 = arith.constant 1 : i32
    %add3A_497 = vector.broadcast %add3A_496 : i32 to vector<16xi32>
    %add3A_498 = arith.addi %add3A_485, %add3A_497 : vector<16xi32>
    %gather3A_499 = tpu.vector_load_idx %arg10[%add3A_498] : memref<768xi32, #tpu.memory_space<vmem>>[vector<16xi32>], vector<16xi32>,
    %swap3A_500 = arith.constant 1 : i32
    %swap3A_501 = arith.constant 1 : i32
    %swap3A_502 = arith.index_cast %swap3A_500 : i32 to index
    %swap3A_503 = arith.index_cast %swap3A_501 : i32 to index
    %swap3A_504 = arith.constant 16 : index
    %swap3A_505 = tpu.vector_load %arg12[%swap3A_502, %swap3A_503, %swap3A_504] {strides = array<i32>} : memref<5x2x128xi32, #tpu.memory_space<vmem>>, vector<16xi32>,
    tpu.vector_store %arg12[%swap3A_502, %swap3A_503, %swap3A_504], %gather3A_499 {strides = array<i32>} : memref<5x2x128xi32, #tpu.memory_space<vmem>>, vector<16xi32>,
    %add3A_506 = arith.constant 2 : i32
    %add3A_507 = vector.broadcast %add3A_506 : i32 to vector<16xi32>
    %add3A_508 = arith.addi %add3A_485, %add3A_507 : vector<16xi32>
    %gather3A_509 = tpu.vector_load_idx %arg10[%add3A_508] : memref<768xi32, #tpu.memory_space<vmem>>[vector<16xi32>], vector<16xi32>,
    %swap3A_510 = arith.constant 2 : i32
    %swap3A_511 = arith.constant 1 : i32
    %swap3A_512 = arith.index_cast %swap3A_510 : i32 to index
    %swap3A_513 = arith.index_cast %swap3A_511 : i32 to index
    %swap3A_514 = arith.constant 16 : index
    %swap3A_515 = tpu.vector_load %arg12[%swap3A_512, %swap3A_513, %swap3A_514] {strides = array<i32>} : memref<5x2x128xi32, #tpu.memory_space<vmem>>, vector<16xi32>,
    tpu.vector_store %arg12[%swap3A_512, %swap3A_513, %swap3A_514], %gather3A_509 {strides = array<i32>} : memref<5x2x128xi32, #tpu.memory_space<vmem>>, vector<16xi32>,
    %add3A_516 = arith.constant 0 : i32
    %add3A_517 = vector.broadcast %add3A_516 : i32 to vector<16xi32>
    %add3A_518 = arith.addi %add3A_485, %add3A_517 : vector<16xi32>
    %gather3A_519 = tpu.vector_load_idx %arg11[%add3A_518] : memref<768xi32, #tpu.memory_space<vmem>>[vector<16xi32>], vector<16xi32>,
    %swap3A_520 = arith.constant 3 : i32
    %swap3A_521 = arith.constant 1 : i32
    %swap3A_522 = arith.index_cast %swap3A_520 : i32 to index
    %swap3A_523 = arith.index_cast %swap3A_521 : i32 to index
    %swap3A_524 = arith.constant 16 : index
    %swap3A_525 = tpu.vector_load %arg12[%swap3A_522, %swap3A_523, %swap3A_524] {strides = array<i32>} : memref<5x2x128xi32, #tpu.memory_space<vmem>>, vector<16xi32>,
    tpu.vector_store %arg12[%swap3A_522, %swap3A_523, %swap3A_524], %gather3A_519 {strides = array<i32>} : memref<5x2x128xi32, #tpu.memory_space<vmem>>, vector<16xi32>,
    %add3A_526 = arith.constant 2 : i32
    %add3A_527 = vector.broadcast %add3A_526 : i32 to vector<16xi32>
    %add3A_528 = arith.addi %add3A_485, %add3A_527 : vector<16xi32>
    %gather3A_529 = tpu.vector_load_idx %arg11[%add3A_528] : memref<768xi32, #tpu.memory_space<vmem>>[vector<16xi32>], vector<16xi32>,
    %swap3A_530 = arith.constant 4 : i32
    %swap3A_531 = arith.constant 1 : i32
    %swap3A_532 = arith.index_cast %swap3A_530 : i32 to index
    %swap3A_533 = arith.index_cast %swap3A_531 : i32 to index
    %swap3A_534 = arith.constant 16 : index
    %swap3A_535 = tpu.vector_load %arg12[%swap3A_532, %swap3A_533, %swap3A_534] {strides = array<i32>} : memref<5x2x128xi32, #tpu.memory_space<vmem>>, vector<16xi32>,
    tpu.vector_store %arg12[%swap3A_532, %swap3A_533, %swap3A_534], %gather3A_529 {strides = array<i32>} : memref<5x2x128xi32, #tpu.memory_space<vmem>>, vector<16xi32>,
    %add3A_536 = arith.constant 480 : i32
    %add3A_537 = vector.broadcast %add3A_536 : i32 to vector<16xi32>
    %add3A_538 = arith.addi %mul3A_7, %add3A_537 : vector<16xi32>
    %add3A_539 = arith.constant 0 : i32
    %add3A_540 = vector.broadcast %add3A_539 : i32 to vector<16xi32>
    %add3A_541 = arith.addi %add3A_538, %add3A_540 : vector<16xi32>
    %gather3A_542 = tpu.vector_load_idx %arg10[%add3A_541] : memref<768xi32, #tpu.memory_space<vmem>>[vector<16xi32>], vector<16xi32>,
    %swap3A_543 = arith.constant 0 : i32
    %swap3A_544 = arith.constant 1 : i32
    %swap3A_545 = arith.index_cast %swap3A_543 : i32 to index
    %swap3A_546 = arith.index_cast %swap3A_544 : i32 to index
    %swap3A_547 = arith.constant 32 : index
    %swap3A_548 = tpu.vector_load %arg12[%swap3A_545, %swap3A_546, %swap3A_547] {strides = array<i32>} : memref<5x2x128xi32, #tpu.memory_space<vmem>>, vector<16xi32>,
    tpu.vector_store %arg12[%swap3A_545, %swap3A_546, %swap3A_547], %gather3A_542 {strides = array<i32>} : memref<5x2x128xi32, #tpu.memory_space<vmem>>, vector<16xi32>,
    %add3A_549 = arith.constant 1 : i32
    %add3A_550 = vector.broadcast %add3A_549 : i32 to vector<16xi32>
    %add3A_551 = arith.addi %add3A_538, %add3A_550 : vector<16xi32>
    %gather3A_552 = tpu.vector_load_idx %arg10[%add3A_551] : memref<768xi32, #tpu.memory_space<vmem>>[vector<16xi32>], vector<16xi32>,
    %swap3A_553 = arith.constant 1 : i32
    %swap3A_554 = arith.constant 1 : i32
    %swap3A_555 = arith.index_cast %swap3A_553 : i32 to index
    %swap3A_556 = arith.index_cast %swap3A_554 : i32 to index
    %swap3A_557 = arith.constant 32 : index
    %swap3A_558 = tpu.vector_load %arg12[%swap3A_555, %swap3A_556, %swap3A_557] {strides = array<i32>} : memref<5x2x128xi32, #tpu.memory_space<vmem>>, vector<16xi32>,
    tpu.vector_store %arg12[%swap3A_555, %swap3A_556, %swap3A_557], %gather3A_552 {strides = array<i32>} : memref<5x2x128xi32, #tpu.memory_space<vmem>>, vector<16xi32>,
    %add3A_559 = arith.constant 2 : i32
    %add3A_560 = vector.broadcast %add3A_559 : i32 to vector<16xi32>
    %add3A_561 = arith.addi %add3A_538, %add3A_560 : vector<16xi32>
    %gather3A_562 = tpu.vector_load_idx %arg10[%add3A_561] : memref<768xi32, #tpu.memory_space<vmem>>[vector<16xi32>], vector<16xi32>,
    %swap3A_563 = arith.constant 2 : i32
    %swap3A_564 = arith.constant 1 : i32
    %swap3A_565 = arith.index_cast %swap3A_563 : i32 to index
    %swap3A_566 = arith.index_cast %swap3A_564 : i32 to index
    %swap3A_567 = arith.constant 32 : index
    %swap3A_568 = tpu.vector_load %arg12[%swap3A_565, %swap3A_566, %swap3A_567] {strides = array<i32>} : memref<5x2x128xi32, #tpu.memory_space<vmem>>, vector<16xi32>,
    tpu.vector_store %arg12[%swap3A_565, %swap3A_566, %swap3A_567], %gather3A_562 {strides = array<i32>} : memref<5x2x128xi32, #tpu.memory_space<vmem>>, vector<16xi32>,
    %add3A_569 = arith.constant 0 : i32
    %add3A_570 = vector.broadcast %add3A_569 : i32 to vector<16xi32>
    %add3A_571 = arith.addi %add3A_538, %add3A_570 : vector<16xi32>
    %gather3A_572 = tpu.vector_load_idx %arg11[%add3A_571] : memref<768xi32, #tpu.memory_space<vmem>>[vector<16xi32>], vector<16xi32>,
    %swap3A_573 = arith.constant 3 : i32
    %swap3A_574 = arith.constant 1 : i32
    %swap3A_575 = arith.index_cast %swap3A_573 : i32 to index
    %swap3A_576 = arith.index_cast %swap3A_574 : i32 to index
    %swap3A_577 = arith.constant 32 : index
    %swap3A_578 = tpu.vector_load %arg12[%swap3A_575, %swap3A_576, %swap3A_577] {strides = array<i32>} : memref<5x2x128xi32, #tpu.memory_space<vmem>>, vector<16xi32>,
    tpu.vector_store %arg12[%swap3A_575, %swap3A_576, %swap3A_577], %gather3A_572 {strides = array<i32>} : memref<5x2x128xi32, #tpu.memory_space<vmem>>, vector<16xi32>,
    %add3A_579 = arith.constant 2 : i32
    %add3A_580 = vector.broadcast %add3A_579 : i32 to vector<16xi32>
    %add3A_581 = arith.addi %add3A_538, %add3A_580 : vector<16xi32>
    %gather3A_582 = tpu.vector_load_idx %arg11[%add3A_581] : memref<768xi32, #tpu.memory_space<vmem>>[vector<16xi32>], vector<16xi32>,
    %swap3A_583 = arith.constant 4 : i32
    %swap3A_584 = arith.constant 1 : i32
    %swap3A_585 = arith.index_cast %swap3A_583 : i32 to index
    %swap3A_586 = arith.index_cast %swap3A_584 : i32 to index
    %swap3A_587 = arith.constant 32 : index
    %swap3A_588 = tpu.vector_load %arg12[%swap3A_585, %swap3A_586, %swap3A_587] {strides = array<i32>} : memref<5x2x128xi32, #tpu.memory_space<vmem>>, vector<16xi32>,
    tpu.vector_store %arg12[%swap3A_585, %swap3A_586, %swap3A_587], %gather3A_582 {strides = array<i32>} : memref<5x2x128xi32, #tpu.memory_space<vmem>>, vector<16xi32>,
    %add3A_589 = arith.constant 528 : i32
    %add3A_590 = vector.broadcast %add3A_589 : i32 to vector<16xi32>
    %add3A_591 = arith.addi %mul3A_7, %add3A_590 : vector<16xi32>
    %add3A_592 = arith.constant 0 : i32
    %add3A_593 = vector.broadcast %add3A_592 : i32 to vector<16xi32>
    %add3A_594 = arith.addi %add3A_591, %add3A_593 : vector<16xi32>
    %gather3A_595 = tpu.vector_load_idx %arg10[%add3A_594] : memref<768xi32, #tpu.memory_space<vmem>>[vector<16xi32>], vector<16xi32>,
    %swap3A_596 = arith.constant 0 : i32
    %swap3A_597 = arith.constant 1 : i32
    %swap3A_598 = arith.index_cast %swap3A_596 : i32 to index
    %swap3A_599 = arith.index_cast %swap3A_597 : i32 to index
    %swap3A_600 = arith.constant 48 : index
    %swap3A_601 = tpu.vector_load %arg12[%swap3A_598, %swap3A_599, %swap3A_600] {strides = array<i32>} : memref<5x2x128xi32, #tpu.memory_space<vmem>>, vector<16xi32>,
    tpu.vector_store %arg12[%swap3A_598, %swap3A_599, %swap3A_600], %gather3A_595 {strides = array<i32>} : memref<5x2x128xi32, #tpu.memory_space<vmem>>, vector<16xi32>,
    %add3A_602 = arith.constant 1 : i32
    %add3A_603 = vector.broadcast %add3A_602 : i32 to vector<16xi32>
    %add3A_604 = arith.addi %add3A_591, %add3A_603 : vector<16xi32>
    %gather3A_605 = tpu.vector_load_idx %arg10[%add3A_604] : memref<768xi32, #tpu.memory_space<vmem>>[vector<16xi32>], vector<16xi32>,
    %swap3A_606 = arith.constant 1 : i32
    %swap3A_607 = arith.constant 1 : i32
    %swap3A_608 = arith.index_cast %swap3A_606 : i32 to index
    %swap3A_609 = arith.index_cast %swap3A_607 : i32 to index
    %swap3A_610 = arith.constant 48 : index
    %swap3A_611 = tpu.vector_load %arg12[%swap3A_608, %swap3A_609, %swap3A_610] {strides = array<i32>} : memref<5x2x128xi32, #tpu.memory_space<vmem>>, vector<16xi32>,
    tpu.vector_store %arg12[%swap3A_608, %swap3A_609, %swap3A_610], %gather3A_605 {strides = array<i32>} : memref<5x2x128xi32, #tpu.memory_space<vmem>>, vector<16xi32>,
    %add3A_612 = arith.constant 2 : i32
    %add3A_613 = vector.broadcast %add3A_612 : i32 to vector<16xi32>
    %add3A_614 = arith.addi %add3A_591, %add3A_613 : vector<16xi32>
    %gather3A_615 = tpu.vector_load_idx %arg10[%add3A_614] : memref<768xi32, #tpu.memory_space<vmem>>[vector<16xi32>], vector<16xi32>,
    %swap3A_616 = arith.constant 2 : i32
    %swap3A_617 = arith.constant 1 : i32
    %swap3A_618 = arith.index_cast %swap3A_616 : i32 to index
    %swap3A_619 = arith.index_cast %swap3A_617 : i32 to index
    %swap3A_620 = arith.constant 48 : index
    %swap3A_621 = tpu.vector_load %arg12[%swap3A_618, %swap3A_619, %swap3A_620] {strides = array<i32>} : memref<5x2x128xi32, #tpu.memory_space<vmem>>, vector<16xi32>,
    tpu.vector_store %arg12[%swap3A_618, %swap3A_619, %swap3A_620], %gather3A_615 {strides = array<i32>} : memref<5x2x128xi32, #tpu.memory_space<vmem>>, vector<16xi32>,
    %add3A_622 = arith.constant 0 : i32
    %add3A_623 = vector.broadcast %add3A_622 : i32 to vector<16xi32>
    %add3A_624 = arith.addi %add3A_591, %add3A_623 : vector<16xi32>
    %gather3A_625 = tpu.vector_load_idx %arg11[%add3A_624] : memref<768xi32, #tpu.memory_space<vmem>>[vector<16xi32>], vector<16xi32>,
    %swap3A_626 = arith.constant 3 : i32
    %swap3A_627 = arith.constant 1 : i32
    %swap3A_628 = arith.index_cast %swap3A_626 : i32 to index
    %swap3A_629 = arith.index_cast %swap3A_627 : i32 to index
    %swap3A_630 = arith.constant 48 : index
    %swap3A_631 = tpu.vector_load %arg12[%swap3A_628, %swap3A_629, %swap3A_630] {strides = array<i32>} : memref<5x2x128xi32, #tpu.memory_space<vmem>>, vector<16xi32>,
    tpu.vector_store %arg12[%swap3A_628, %swap3A_629, %swap3A_630], %gather3A_625 {strides = array<i32>} : memref<5x2x128xi32, #tpu.memory_space<vmem>>, vector<16xi32>,
    %add3A_632 = arith.constant 2 : i32
    %add3A_633 = vector.broadcast %add3A_632 : i32 to vector<16xi32>
    %add3A_634 = arith.addi %add3A_591, %add3A_633 : vector<16xi32>
    %gather3A_635 = tpu.vector_load_idx %arg11[%add3A_634] : memref<768xi32, #tpu.memory_space<vmem>>[vector<16xi32>], vector<16xi32>,
    %swap3A_636 = arith.constant 4 : i32
    %swap3A_637 = arith.constant 1 : i32
    %swap3A_638 = arith.index_cast %swap3A_636 : i32 to index
    %swap3A_639 = arith.index_cast %swap3A_637 : i32 to index
    %swap3A_640 = arith.constant 48 : index
    %swap3A_641 = tpu.vector_load %arg12[%swap3A_638, %swap3A_639, %swap3A_640] {strides = array<i32>} : memref<5x2x128xi32, #tpu.memory_space<vmem>>, vector<16xi32>,
    tpu.vector_store %arg12[%swap3A_638, %swap3A_639, %swap3A_640], %gather3A_635 {strides = array<i32>} : memref<5x2x128xi32, #tpu.memory_space<vmem>>, vector<16xi32>,
    %add3A_642 = arith.constant 576 : i32
    %add3A_643 = vector.broadcast %add3A_642 : i32 to vector<16xi32>
    %add3A_644 = arith.addi %mul3A_7, %add3A_643 : vector<16xi32>
    %add3A_645 = arith.constant 0 : i32
    %add3A_646 = vector.broadcast %add3A_645 : i32 to vector<16xi32>
    %add3A_647 = arith.addi %add3A_644, %add3A_646 : vector<16xi32>
    %gather3A_648 = tpu.vector_load_idx %arg10[%add3A_647] : memref<768xi32, #tpu.memory_space<vmem>>[vector<16xi32>], vector<16xi32>,
    %swap3A_649 = arith.constant 0 : i32
    %swap3A_650 = arith.constant 1 : i32
    %swap3A_651 = arith.index_cast %swap3A_649 : i32 to index
    %swap3A_652 = arith.index_cast %swap3A_650 : i32 to index
    %swap3A_653 = arith.constant 64 : index
    %swap3A_654 = tpu.vector_load %arg12[%swap3A_651, %swap3A_652, %swap3A_653] {strides = array<i32>} : memref<5x2x128xi32, #tpu.memory_space<vmem>>, vector<16xi32>,
    tpu.vector_store %arg12[%swap3A_651, %swap3A_652, %swap3A_653], %gather3A_648 {strides = array<i32>} : memref<5x2x128xi32, #tpu.memory_space<vmem>>, vector<16xi32>,
    %add3A_655 = arith.constant 1 : i32
    %add3A_656 = vector.broadcast %add3A_655 : i32 to vector<16xi32>
    %add3A_657 = arith.addi %add3A_644, %add3A_656 : vector<16xi32>
    %gather3A_658 = tpu.vector_load_idx %arg10[%add3A_657] : memref<768xi32, #tpu.memory_space<vmem>>[vector<16xi32>], vector<16xi32>,
    %swap3A_659 = arith.constant 1 : i32
    %swap3A_660 = arith.constant 1 : i32
    %swap3A_661 = arith.index_cast %swap3A_659 : i32 to index
    %swap3A_662 = arith.index_cast %swap3A_660 : i32 to index
    %swap3A_663 = arith.constant 64 : index
    %swap3A_664 = tpu.vector_load %arg12[%swap3A_661, %swap3A_662, %swap3A_663] {strides = array<i32>} : memref<5x2x128xi32, #tpu.memory_space<vmem>>, vector<16xi32>,
    tpu.vector_store %arg12[%swap3A_661, %swap3A_662, %swap3A_663], %gather3A_658 {strides = array<i32>} : memref<5x2x128xi32, #tpu.memory_space<vmem>>, vector<16xi32>,
    %add3A_665 = arith.constant 2 : i32
    %add3A_666 = vector.broadcast %add3A_665 : i32 to vector<16xi32>
    %add3A_667 = arith.addi %add3A_644, %add3A_666 : vector<16xi32>
    %gather3A_668 = tpu.vector_load_idx %arg10[%add3A_667] : memref<768xi32, #tpu.memory_space<vmem>>[vector<16xi32>], vector<16xi32>,
    %swap3A_669 = arith.constant 2 : i32
    %swap3A_670 = arith.constant 1 : i32
    %swap3A_671 = arith.index_cast %swap3A_669 : i32 to index
    %swap3A_672 = arith.index_cast %swap3A_670 : i32 to index
    %swap3A_673 = arith.constant 64 : index
    %swap3A_674 = tpu.vector_load %arg12[%swap3A_671, %swap3A_672, %swap3A_673] {strides = array<i32>} : memref<5x2x128xi32, #tpu.memory_space<vmem>>, vector<16xi32>,
    tpu.vector_store %arg12[%swap3A_671, %swap3A_672, %swap3A_673], %gather3A_668 {strides = array<i32>} : memref<5x2x128xi32, #tpu.memory_space<vmem>>, vector<16xi32>,
    %add3A_675 = arith.constant 0 : i32
    %add3A_676 = vector.broadcast %add3A_675 : i32 to vector<16xi32>
    %add3A_677 = arith.addi %add3A_644, %add3A_676 : vector<16xi32>
    %gather3A_678 = tpu.vector_load_idx %arg11[%add3A_677] : memref<768xi32, #tpu.memory_space<vmem>>[vector<16xi32>], vector<16xi32>,
    %swap3A_679 = arith.constant 3 : i32
    %swap3A_680 = arith.constant 1 : i32
    %swap3A_681 = arith.index_cast %swap3A_679 : i32 to index
    %swap3A_682 = arith.index_cast %swap3A_680 : i32 to index
    %swap3A_683 = arith.constant 64 : index
    %swap3A_684 = tpu.vector_load %arg12[%swap3A_681, %swap3A_682, %swap3A_683] {strides = array<i32>} : memref<5x2x128xi32, #tpu.memory_space<vmem>>, vector<16xi32>,
    tpu.vector_store %arg12[%swap3A_681, %swap3A_682, %swap3A_683], %gather3A_678 {strides = array<i32>} : memref<5x2x128xi32, #tpu.memory_space<vmem>>, vector<16xi32>,
    %add3A_685 = arith.constant 2 : i32
    %add3A_686 = vector.broadcast %add3A_685 : i32 to vector<16xi32>
    %add3A_687 = arith.addi %add3A_644, %add3A_686 : vector<16xi32>
    %gather3A_688 = tpu.vector_load_idx %arg11[%add3A_687] : memref<768xi32, #tpu.memory_space<vmem>>[vector<16xi32>], vector<16xi32>,
    %swap3A_689 = arith.constant 4 : i32
    %swap3A_690 = arith.constant 1 : i32
    %swap3A_691 = arith.index_cast %swap3A_689 : i32 to index
    %swap3A_692 = arith.index_cast %swap3A_690 : i32 to index
    %swap3A_693 = arith.constant 64 : index
    %swap3A_694 = tpu.vector_load %arg12[%swap3A_691, %swap3A_692, %swap3A_693] {strides = array<i32>} : memref<5x2x128xi32, #tpu.memory_space<vmem>>, vector<16xi32>,
    tpu.vector_store %arg12[%swap3A_691, %swap3A_692, %swap3A_693], %gather3A_688 {strides = array<i32>} : memref<5x2x128xi32, #tpu.memory_space<vmem>>, vector<16xi32>,
    %add3A_695 = arith.constant 624 : i32
    %add3A_696 = vector.broadcast %add3A_695 : i32 to vector<16xi32>
    %add3A_697 = arith.addi %mul3A_7, %add3A_696 : vector<16xi32>
    %add3A_698 = arith.constant 0 : i32
    %add3A_699 = vector.broadcast %add3A_698 : i32 to vector<16xi32>
    %add3A_700 = arith.addi %add3A_697, %add3A_699 : vector<16xi32>
    %gather3A_701 = tpu.vector_load_idx %arg10[%add3A_700] : memref<768xi32, #tpu.memory_space<vmem>>[vector<16xi32>], vector<16xi32>,
    %swap3A_702 = arith.constant 0 : i32
    %swap3A_703 = arith.constant 1 : i32
    %swap3A_704 = arith.index_cast %swap3A_702 : i32 to index
    %swap3A_705 = arith.index_cast %swap3A_703 : i32 to index
    %swap3A_706 = arith.constant 80 : index
    %swap3A_707 = tpu.vector_load %arg12[%swap3A_704, %swap3A_705, %swap3A_706] {strides = array<i32>} : memref<5x2x128xi32, #tpu.memory_space<vmem>>, vector<16xi32>,
    tpu.vector_store %arg12[%swap3A_704, %swap3A_705, %swap3A_706], %gather3A_701 {strides = array<i32>} : memref<5x2x128xi32, #tpu.memory_space<vmem>>, vector<16xi32>,
    %add3A_708 = arith.constant 1 : i32
    %add3A_709 = vector.broadcast %add3A_708 : i32 to vector<16xi32>
    %add3A_710 = arith.addi %add3A_697, %add3A_709 : vector<16xi32>
    %gather3A_711 = tpu.vector_load_idx %arg10[%add3A_710] : memref<768xi32, #tpu.memory_space<vmem>>[vector<16xi32>], vector<16xi32>,
    %swap3A_712 = arith.constant 1 : i32
    %swap3A_713 = arith.constant 1 : i32
    %swap3A_714 = arith.index_cast %swap3A_712 : i32 to index
    %swap3A_715 = arith.index_cast %swap3A_713 : i32 to index
    %swap3A_716 = arith.constant 80 : index
    %swap3A_717 = tpu.vector_load %arg12[%swap3A_714, %swap3A_715, %swap3A_716] {strides = array<i32>} : memref<5x2x128xi32, #tpu.memory_space<vmem>>, vector<16xi32>,
    tpu.vector_store %arg12[%swap3A_714, %swap3A_715, %swap3A_716], %gather3A_711 {strides = array<i32>} : memref<5x2x128xi32, #tpu.memory_space<vmem>>, vector<16xi32>,
    %add3A_718 = arith.constant 2 : i32
    %add3A_719 = vector.broadcast %add3A_718 : i32 to vector<16xi32>
    %add3A_720 = arith.addi %add3A_697, %add3A_719 : vector<16xi32>
    %gather3A_721 = tpu.vector_load_idx %arg10[%add3A_720] : memref<768xi32, #tpu.memory_space<vmem>>[vector<16xi32>], vector<16xi32>,
    %swap3A_722 = arith.constant 2 : i32
    %swap3A_723 = arith.constant 1 : i32
    %swap3A_724 = arith.index_cast %swap3A_722 : i32 to index
    %swap3A_725 = arith.index_cast %swap3A_723 : i32 to index
    %swap3A_726 = arith.constant 80 : index
    %swap3A_727 = tpu.vector_load %arg12[%swap3A_724, %swap3A_725, %swap3A_726] {strides = array<i32>} : memref<5x2x128xi32, #tpu.memory_space<vmem>>, vector<16xi32>,
    tpu.vector_store %arg12[%swap3A_724, %swap3A_725, %swap3A_726], %gather3A_721 {strides = array<i32>} : memref<5x2x128xi32, #tpu.memory_space<vmem>>, vector<16xi32>,
    %add3A_728 = arith.constant 0 : i32
    %add3A_729 = vector.broadcast %add3A_728 : i32 to vector<16xi32>
    %add3A_730 = arith.addi %add3A_697, %add3A_729 : vector<16xi32>
    %gather3A_731 = tpu.vector_load_idx %arg11[%add3A_730] : memref<768xi32, #tpu.memory_space<vmem>>[vector<16xi32>], vector<16xi32>,
    %swap3A_732 = arith.constant 3 : i32
    %swap3A_733 = arith.constant 1 : i32
    %swap3A_734 = arith.index_cast %swap3A_732 : i32 to index
    %swap3A_735 = arith.index_cast %swap3A_733 : i32 to index
    %swap3A_736 = arith.constant 80 : index
    %swap3A_737 = tpu.vector_load %arg12[%swap3A_734, %swap3A_735, %swap3A_736] {strides = array<i32>} : memref<5x2x128xi32, #tpu.memory_space<vmem>>, vector<16xi32>,
    tpu.vector_store %arg12[%swap3A_734, %swap3A_735, %swap3A_736], %gather3A_731 {strides = array<i32>} : memref<5x2x128xi32, #tpu.memory_space<vmem>>, vector<16xi32>,
    %add3A_738 = arith.constant 2 : i32
    %add3A_739 = vector.broadcast %add3A_738 : i32 to vector<16xi32>
    %add3A_740 = arith.addi %add3A_697, %add3A_739 : vector<16xi32>
    %gather3A_741 = tpu.vector_load_idx %arg11[%add3A_740] : memref<768xi32, #tpu.memory_space<vmem>>[vector<16xi32>], vector<16xi32>,
    %swap3A_742 = arith.constant 4 : i32
    %swap3A_743 = arith.constant 1 : i32
    %swap3A_744 = arith.index_cast %swap3A_742 : i32 to index
    %swap3A_745 = arith.index_cast %swap3A_743 : i32 to index
    %swap3A_746 = arith.constant 80 : index
    %swap3A_747 = tpu.vector_load %arg12[%swap3A_744, %swap3A_745, %swap3A_746] {strides = array<i32>} : memref<5x2x128xi32, #tpu.memory_space<vmem>>, vector<16xi32>,
    tpu.vector_store %arg12[%swap3A_744, %swap3A_745, %swap3A_746], %gather3A_741 {strides = array<i32>} : memref<5x2x128xi32, #tpu.memory_space<vmem>>, vector<16xi32>,
    %add3A_748 = arith.constant 672 : i32
    %add3A_749 = vector.broadcast %add3A_748 : i32 to vector<16xi32>
    %add3A_750 = arith.addi %mul3A_7, %add3A_749 : vector<16xi32>
    %add3A_751 = arith.constant 0 : i32
    %add3A_752 = vector.broadcast %add3A_751 : i32 to vector<16xi32>
    %add3A_753 = arith.addi %add3A_750, %add3A_752 : vector<16xi32>
    %gather3A_754 = tpu.vector_load_idx %arg10[%add3A_753] : memref<768xi32, #tpu.memory_space<vmem>>[vector<16xi32>], vector<16xi32>,
    %swap3A_755 = arith.constant 0 : i32
    %swap3A_756 = arith.constant 1 : i32
    %swap3A_757 = arith.index_cast %swap3A_755 : i32 to index
    %swap3A_758 = arith.index_cast %swap3A_756 : i32 to index
    %swap3A_759 = arith.constant 96 : index
    %swap3A_760 = tpu.vector_load %arg12[%swap3A_757, %swap3A_758, %swap3A_759] {strides = array<i32>} : memref<5x2x128xi32, #tpu.memory_space<vmem>>, vector<16xi32>,
    tpu.vector_store %arg12[%swap3A_757, %swap3A_758, %swap3A_759], %gather3A_754 {strides = array<i32>} : memref<5x2x128xi32, #tpu.memory_space<vmem>>, vector<16xi32>,
    %add3A_761 = arith.constant 1 : i32
    %add3A_762 = vector.broadcast %add3A_761 : i32 to vector<16xi32>
    %add3A_763 = arith.addi %add3A_750, %add3A_762 : vector<16xi32>
    %gather3A_764 = tpu.vector_load_idx %arg10[%add3A_763] : memref<768xi32, #tpu.memory_space<vmem>>[vector<16xi32>], vector<16xi32>,
    %swap3A_765 = arith.constant 1 : i32
    %swap3A_766 = arith.constant 1 : i32
    %swap3A_767 = arith.index_cast %swap3A_765 : i32 to index
    %swap3A_768 = arith.index_cast %swap3A_766 : i32 to index
    %swap3A_769 = arith.constant 96 : index
    %swap3A_770 = tpu.vector_load %arg12[%swap3A_767, %swap3A_768, %swap3A_769] {strides = array<i32>} : memref<5x2x128xi32, #tpu.memory_space<vmem>>, vector<16xi32>,
    tpu.vector_store %arg12[%swap3A_767, %swap3A_768, %swap3A_769], %gather3A_764 {strides = array<i32>} : memref<5x2x128xi32, #tpu.memory_space<vmem>>, vector<16xi32>,
    %add3A_771 = arith.constant 2 : i32
    %add3A_772 = vector.broadcast %add3A_771 : i32 to vector<16xi32>
    %add3A_773 = arith.addi %add3A_750, %add3A_772 : vector<16xi32>
    %gather3A_774 = tpu.vector_load_idx %arg10[%add3A_773] : memref<768xi32, #tpu.memory_space<vmem>>[vector<16xi32>], vector<16xi32>,
    %swap3A_775 = arith.constant 2 : i32
    %swap3A_776 = arith.constant 1 : i32
    %swap3A_777 = arith.index_cast %swap3A_775 : i32 to index
    %swap3A_778 = arith.index_cast %swap3A_776 : i32 to index
    %swap3A_779 = arith.constant 96 : index
    %swap3A_780 = tpu.vector_load %arg12[%swap3A_777, %swap3A_778, %swap3A_779] {strides = array<i32>} : memref<5x2x128xi32, #tpu.memory_space<vmem>>, vector<16xi32>,
    tpu.vector_store %arg12[%swap3A_777, %swap3A_778, %swap3A_779], %gather3A_774 {strides = array<i32>} : memref<5x2x128xi32, #tpu.memory_space<vmem>>, vector<16xi32>,
    %add3A_781 = arith.constant 0 : i32
    %add3A_782 = vector.broadcast %add3A_781 : i32 to vector<16xi32>
    %add3A_783 = arith.addi %add3A_750, %add3A_782 : vector<16xi32>
    %gather3A_784 = tpu.vector_load_idx %arg11[%add3A_783] : memref<768xi32, #tpu.memory_space<vmem>>[vector<16xi32>], vector<16xi32>,
    %swap3A_785 = arith.constant 3 : i32
    %swap3A_786 = arith.constant 1 : i32
    %swap3A_787 = arith.index_cast %swap3A_785 : i32 to index
    %swap3A_788 = arith.index_cast %swap3A_786 : i32 to index
    %swap3A_789 = arith.constant 96 : index
    %swap3A_790 = tpu.vector_load %arg12[%swap3A_787, %swap3A_788, %swap3A_789] {strides = array<i32>} : memref<5x2x128xi32, #tpu.memory_space<vmem>>, vector<16xi32>,
    tpu.vector_store %arg12[%swap3A_787, %swap3A_788, %swap3A_789], %gather3A_784 {strides = array<i32>} : memref<5x2x128xi32, #tpu.memory_space<vmem>>, vector<16xi32>,
    %add3A_791 = arith.constant 2 : i32
    %add3A_792 = vector.broadcast %add3A_791 : i32 to vector<16xi32>
    %add3A_793 = arith.addi %add3A_750, %add3A_792 : vector<16xi32>
    %gather3A_794 = tpu.vector_load_idx %arg11[%add3A_793] : memref<768xi32, #tpu.memory_space<vmem>>[vector<16xi32>], vector<16xi32>,
    %swap3A_795 = arith.constant 4 : i32
    %swap3A_796 = arith.constant 1 : i32
    %swap3A_797 = arith.index_cast %swap3A_795 : i32 to index
    %swap3A_798 = arith.index_cast %swap3A_796 : i32 to index
    %swap3A_799 = arith.constant 96 : index
    %swap3A_800 = tpu.vector_load %arg12[%swap3A_797, %swap3A_798, %swap3A_799] {strides = array<i32>} : memref<5x2x128xi32, #tpu.memory_space<vmem>>, vector<16xi32>,
    tpu.vector_store %arg12[%swap3A_797, %swap3A_798, %swap3A_799], %gather3A_794 {strides = array<i32>} : memref<5x2x128xi32, #tpu.memory_space<vmem>>, vector<16xi32>,
    %add3A_801 = arith.constant 720 : i32
    %add3A_802 = vector.broadcast %add3A_801 : i32 to vector<16xi32>
    %add3A_803 = arith.addi %mul3A_7, %add3A_802 : vector<16xi32>
    %add3A_804 = arith.constant 0 : i32
    %add3A_805 = vector.broadcast %add3A_804 : i32 to vector<16xi32>
    %add3A_806 = arith.addi %add3A_803, %add3A_805 : vector<16xi32>
    %gather3A_807 = tpu.vector_load_idx %arg10[%add3A_806] : memref<768xi32, #tpu.memory_space<vmem>>[vector<16xi32>], vector<16xi32>,
    %swap3A_808 = arith.constant 0 : i32
    %swap3A_809 = arith.constant 1 : i32
    %swap3A_810 = arith.index_cast %swap3A_808 : i32 to index
    %swap3A_811 = arith.index_cast %swap3A_809 : i32 to index
    %swap3A_812 = arith.constant 112 : index
    %swap3A_813 = tpu.vector_load %arg12[%swap3A_810, %swap3A_811, %swap3A_812] {strides = array<i32>} : memref<5x2x128xi32, #tpu.memory_space<vmem>>, vector<16xi32>,
    tpu.vector_store %arg12[%swap3A_810, %swap3A_811, %swap3A_812], %gather3A_807 {strides = array<i32>} : memref<5x2x128xi32, #tpu.memory_space<vmem>>, vector<16xi32>,
    %add3A_814 = arith.constant 1 : i32
    %add3A_815 = vector.broadcast %add3A_814 : i32 to vector<16xi32>
    %add3A_816 = arith.addi %add3A_803, %add3A_815 : vector<16xi32>
    %gather3A_817 = tpu.vector_load_idx %arg10[%add3A_816] : memref<768xi32, #tpu.memory_space<vmem>>[vector<16xi32>], vector<16xi32>,
    %swap3A_818 = arith.constant 1 : i32
    %swap3A_819 = arith.constant 1 : i32
    %swap3A_820 = arith.index_cast %swap3A_818 : i32 to index
    %swap3A_821 = arith.index_cast %swap3A_819 : i32 to index
    %swap3A_822 = arith.constant 112 : index
    %swap3A_823 = tpu.vector_load %arg12[%swap3A_820, %swap3A_821, %swap3A_822] {strides = array<i32>} : memref<5x2x128xi32, #tpu.memory_space<vmem>>, vector<16xi32>,
    tpu.vector_store %arg12[%swap3A_820, %swap3A_821, %swap3A_822], %gather3A_817 {strides = array<i32>} : memref<5x2x128xi32, #tpu.memory_space<vmem>>, vector<16xi32>,
    %add3A_824 = arith.constant 2 : i32
    %add3A_825 = vector.broadcast %add3A_824 : i32 to vector<16xi32>
    %add3A_826 = arith.addi %add3A_803, %add3A_825 : vector<16xi32>
    %gather3A_827 = tpu.vector_load_idx %arg10[%add3A_826] : memref<768xi32, #tpu.memory_space<vmem>>[vector<16xi32>], vector<16xi32>,
    %swap3A_828 = arith.constant 2 : i32
    %swap3A_829 = arith.constant 1 : i32
    %swap3A_830 = arith.index_cast %swap3A_828 : i32 to index
    %swap3A_831 = arith.index_cast %swap3A_829 : i32 to index
    %swap3A_832 = arith.constant 112 : index
    %swap3A_833 = tpu.vector_load %arg12[%swap3A_830, %swap3A_831, %swap3A_832] {strides = array<i32>} : memref<5x2x128xi32, #tpu.memory_space<vmem>>, vector<16xi32>,
    tpu.vector_store %arg12[%swap3A_830, %swap3A_831, %swap3A_832], %gather3A_827 {strides = array<i32>} : memref<5x2x128xi32, #tpu.memory_space<vmem>>, vector<16xi32>,
    %add3A_834 = arith.constant 0 : i32
    %add3A_835 = vector.broadcast %add3A_834 : i32 to vector<16xi32>
    %add3A_836 = arith.addi %add3A_803, %add3A_835 : vector<16xi32>
    %gather3A_837 = tpu.vector_load_idx %arg11[%add3A_836] : memref<768xi32, #tpu.memory_space<vmem>>[vector<16xi32>], vector<16xi32>,
    %swap3A_838 = arith.constant 3 : i32
    %swap3A_839 = arith.constant 1 : i32
    %swap3A_840 = arith.index_cast %swap3A_838 : i32 to index
    %swap3A_841 = arith.index_cast %swap3A_839 : i32 to index
    %swap3A_842 = arith.constant 112 : index
    %swap3A_843 = tpu.vector_load %arg12[%swap3A_840, %swap3A_841, %swap3A_842] {strides = array<i32>} : memref<5x2x128xi32, #tpu.memory_space<vmem>>, vector<16xi32>,
    tpu.vector_store %arg12[%swap3A_840, %swap3A_841, %swap3A_842], %gather3A_837 {strides = array<i32>} : memref<5x2x128xi32, #tpu.memory_space<vmem>>, vector<16xi32>,
    %add3A_844 = arith.constant 2 : i32
    %add3A_845 = vector.broadcast %add3A_844 : i32 to vector<16xi32>
    %add3A_846 = arith.addi %add3A_803, %add3A_845 : vector<16xi32>
    %gather3A_847 = tpu.vector_load_idx %arg11[%add3A_846] : memref<768xi32, #tpu.memory_space<vmem>>[vector<16xi32>], vector<16xi32>,
    %swap3A_848 = arith.constant 4 : i32
    %swap3A_849 = arith.constant 1 : i32
    %swap3A_850 = arith.index_cast %swap3A_848 : i32 to index
    %swap3A_851 = arith.index_cast %swap3A_849 : i32 to index
    %swap3A_852 = arith.constant 112 : index
    %swap3A_853 = tpu.vector_load %arg12[%swap3A_850, %swap3A_851, %swap3A_852] {strides = array<i32>} : memref<5x2x128xi32, #tpu.memory_space<vmem>>, vector<16xi32>,
    tpu.vector_store %arg12[%swap3A_850, %swap3A_851, %swap3A_852], %gather3A_847 {strides = array<i32>} : memref<5x2x128xi32, #tpu.memory_space<vmem>>, vector<16xi32>,
    %dma_start3A = arith.constant 0 : i32
    %dma_start3A_854 = arith.constant 0 : i32
    %dma_start3A_855 = arith.constant 0 : i32
    %dma_start3A_856 = arith.constant 0 : i32
    %dma_start3A_857 = arith.constant 0 : i32
    %dma_start3A_858 = tpu.memref_slice %arg13[%dma_start3A_855, %dma_start3A_856, %dma_start3A_857] : memref<5x256x32xf32, #tpu.memory_space<vmem>> -> memref<1x128x32xf32, #tpu.memory_space<vmem>>
    %dma_start3A_859 = tpu.memref_squeeze %dma_start3A_858 : memref<1x128x32xf32, #tpu.memory_space<vmem>> -> memref<128x32xf32, #tpu.memory_space<vmem>>
    %dma_start3A_860 = arith.constant 0 : i32
    %dma_start3A_861 = tpu.memref_slice %arg12[%dma_start3A, %dma_start3A_854, %dma_start3A_860] : memref<5x2x128xi32, #tpu.memory_space<vmem>> -> memref<1x1x128xi32, #tpu.memory_space<vmem>>
    %dma_start3A_862 = tpu.memref_squeeze %dma_start3A_861 : memref<1x1x128xi32, #tpu.memory_space<vmem>> -> memref<128xi32, #tpu.memory_space<vmem>>
    %dma_start3A_863 = arith.constant 0 : i32
    %dma_start3A_864 = arith.constant 0 : i32
    %dma_start3A_865 = tpu.memref_slice %arg3[%dma_start3A_863, %dma_start3A_864] : memref<1000000x32xf32, #tpu.memory_space<hbm>> -> memref<1000000x32xf32, #tpu.memory_space<hbm>>
    tpu.enqueue_indirect_dma source(%dma_start3A_865 : memref<1000000x32xf32, #tpu.memory_space<hbm>>) target(%dma_start3A_859 : memref<128x32xf32, #tpu.memory_space<vmem>>) offsets(%dma_start3A_862 : memref<128xi32, #tpu.memory_space<vmem>>) semaphore(%arg14 : memref<!tpu.dma_semaphore, #tpu.memory_space<semaphore_mem>>)
    %dma_start3A_866 = arith.constant 0 : i32
    %dma_start3A_867 = arith.constant 1 : i32
    %dma_start3A_868 = arith.constant 0 : i32
    %dma_start3A_869 = arith.constant 128 : i32
    %dma_start3A_870 = arith.constant 0 : i32
    %dma_start3A_871 = tpu.memref_slice %arg13[%dma_start3A_868, %dma_start3A_869, %dma_start3A_870] : memref<5x256x32xf32, #tpu.memory_space<vmem>> -> memref<1x128x32xf32, #tpu.memory_space<vmem>>
    %dma_start3A_872 = tpu.memref_squeeze %dma_start3A_871 : memref<1x128x32xf32, #tpu.memory_space<vmem>> -> memref<128x32xf32, #tpu.memory_space<vmem>>
    %dma_start3A_873 = arith.constant 0 : i32
    %dma_start3A_874 = tpu.memref_slice %arg12[%dma_start3A_866, %dma_start3A_867, %dma_start3A_873] : memref<5x2x128xi32, #tpu.memory_space<vmem>> -> memref<1x1x128xi32, #tpu.memory_space<vmem>>
    %dma_start3A_875 = tpu.memref_squeeze %dma_start3A_874 : memref<1x1x128xi32, #tpu.memory_space<vmem>> -> memref<128xi32, #tpu.memory_space<vmem>>
    %dma_start3A_876 = arith.constant 0 : i32
    %dma_start3A_877 = arith.constant 0 : i32
    %dma_start3A_878 = tpu.memref_slice %arg3[%dma_start3A_876, %dma_start3A_877] : memref<1000000x32xf32, #tpu.memory_space<hbm>> -> memref<1000000x32xf32, #tpu.memory_space<hbm>>
    tpu.enqueue_indirect_dma source(%dma_start3A_878 : memref<1000000x32xf32, #tpu.memory_space<hbm>>) target(%dma_start3A_872 : memref<128x32xf32, #tpu.memory_space<vmem>>) offsets(%dma_start3A_875 : memref<128xi32, #tpu.memory_space<vmem>>) semaphore(%arg14 : memref<!tpu.dma_semaphore, #tpu.memory_space<semaphore_mem>>)
    %dma_start3A_879 = arith.constant 1 : i32
    %dma_start3A_880 = arith.constant 0 : i32
    %dma_start3A_881 = arith.constant 1 : i32
    %dma_start3A_882 = arith.constant 0 : i32
    %dma_start3A_883 = arith.constant 0 : i32
    %dma_start3A_884 = tpu.memref_slice %arg13[%dma_start3A_881, %dma_start3A_882, %dma_start3A_883] : memref<5x256x32xf32, #tpu.memory_space<vmem>> -> memref<1x128x32xf32, #tpu.memory_space<vmem>>
    %dma_start3A_885 = tpu.memref_squeeze %dma_start3A_884 : memref<1x128x32xf32, #tpu.memory_space<vmem>> -> memref<128x32xf32, #tpu.memory_space<vmem>>
    %dma_start3A_886 = arith.constant 0 : i32
    %dma_start3A_887 = tpu.memref_slice %arg12[%dma_start3A_879, %dma_start3A_880, %dma_start3A_886] : memref<5x2x128xi32, #tpu.memory_space<vmem>> -> memref<1x1x128xi32, #tpu.memory_space<vmem>>
    %dma_start3A_888 = tpu.memref_squeeze %dma_start3A_887 : memref<1x1x128xi32, #tpu.memory_space<vmem>> -> memref<128xi32, #tpu.memory_space<vmem>>
    %dma_start3A_889 = arith.constant 0 : i32
    %dma_start3A_890 = arith.constant 0 : i32
    %dma_start3A_891 = tpu.memref_slice %arg4[%dma_start3A_889, %dma_start3A_890] : memref<1000000x32xf32, #tpu.memory_space<hbm>> -> memref<1000000x32xf32, #tpu.memory_space<hbm>>
    tpu.enqueue_indirect_dma source(%dma_start3A_891 : memref<1000000x32xf32, #tpu.memory_space<hbm>>) target(%dma_start3A_885 : memref<128x32xf32, #tpu.memory_space<vmem>>) offsets(%dma_start3A_888 : memref<128xi32, #tpu.memory_space<vmem>>) semaphore(%arg14 : memref<!tpu.dma_semaphore, #tpu.memory_space<semaphore_mem>>)
    %dma_start3A_892 = arith.constant 1 : i32
    %dma_start3A_893 = arith.constant 1 : i32
    %dma_start3A_894 = arith.constant 1 : i32
    %dma_start3A_895 = arith.constant 128 : i32
    %dma_start3A_896 = arith.constant 0 : i32
    %dma_start3A_897 = tpu.memref_slice %arg13[%dma_start3A_894, %dma_start3A_895, %dma_start3A_896] : memref<5x256x32xf32, #tpu.memory_space<vmem>> -> memref<1x128x32xf32, #tpu.memory_space<vmem>>
    %dma_start3A_898 = tpu.memref_squeeze %dma_start3A_897 : memref<1x128x32xf32, #tpu.memory_space<vmem>> -> memref<128x32xf32, #tpu.memory_space<vmem>>
    %dma_start3A_899 = arith.constant 0 : i32
    %dma_start3A_900 = tpu.memref_slice %arg12[%dma_start3A_892, %dma_start3A_893, %dma_start3A_899] : memref<5x2x128xi32, #tpu.memory_space<vmem>> -> memref<1x1x128xi32, #tpu.memory_space<vmem>>
    %dma_start3A_901 = tpu.memref_squeeze %dma_start3A_900 : memref<1x1x128xi32, #tpu.memory_space<vmem>> -> memref<128xi32, #tpu.memory_space<vmem>>
    %dma_start3A_902 = arith.constant 0 : i32
    %dma_start3A_903 = arith.constant 0 : i32
    %dma_start3A_904 = tpu.memref_slice %arg4[%dma_start3A_902, %dma_start3A_903] : memref<1000000x32xf32, #tpu.memory_space<hbm>> -> memref<1000000x32xf32, #tpu.memory_space<hbm>>
    tpu.enqueue_indirect_dma source(%dma_start3A_904 : memref<1000000x32xf32, #tpu.memory_space<hbm>>) target(%dma_start3A_898 : memref<128x32xf32, #tpu.memory_space<vmem>>) offsets(%dma_start3A_901 : memref<128xi32, #tpu.memory_space<vmem>>) semaphore(%arg14 : memref<!tpu.dma_semaphore, #tpu.memory_space<semaphore_mem>>)
    %dma_start3A_905 = arith.constant 2 : i32
    %dma_start3A_906 = arith.constant 0 : i32
    %dma_start3A_907 = arith.constant 2 : i32
    %dma_start3A_908 = arith.constant 0 : i32
    %dma_start3A_909 = arith.constant 0 : i32
    %dma_start3A_910 = tpu.memref_slice %arg13[%dma_start3A_907, %dma_start3A_908, %dma_start3A_909] : memref<5x256x32xf32, #tpu.memory_space<vmem>> -> memref<1x128x32xf32, #tpu.memory_space<vmem>>
    %dma_start3A_911 = tpu.memref_squeeze %dma_start3A_910 : memref<1x128x32xf32, #tpu.memory_space<vmem>> -> memref<128x32xf32, #tpu.memory_space<vmem>>
    %dma_start3A_912 = arith.constant 0 : i32
    %dma_start3A_913 = tpu.memref_slice %arg12[%dma_start3A_905, %dma_start3A_906, %dma_start3A_912] : memref<5x2x128xi32, #tpu.memory_space<vmem>> -> memref<1x1x128xi32, #tpu.memory_space<vmem>>
    %dma_start3A_914 = tpu.memref_squeeze %dma_start3A_913 : memref<1x1x128xi32, #tpu.memory_space<vmem>> -> memref<128xi32, #tpu.memory_space<vmem>>
    %dma_start3A_915 = arith.constant 0 : i32
    %dma_start3A_916 = arith.constant 0 : i32
    %dma_start3A_917 = tpu.memref_slice %arg3[%dma_start3A_915, %dma_start3A_916] : memref<1000000x32xf32, #tpu.memory_space<hbm>> -> memref<1000000x32xf32, #tpu.memory_space<hbm>>
    tpu.enqueue_indirect_dma source(%dma_start3A_917 : memref<1000000x32xf32, #tpu.memory_space<hbm>>) target(%dma_start3A_911 : memref<128x32xf32, #tpu.memory_space<vmem>>) offsets(%dma_start3A_914 : memref<128xi32, #tpu.memory_space<vmem>>) semaphore(%arg14 : memref<!tpu.dma_semaphore, #tpu.memory_space<semaphore_mem>>)
    %dma_start3A_918 = arith.constant 2 : i32
    %dma_start3A_919 = arith.constant 1 : i32
    %dma_start3A_920 = arith.constant 2 : i32
    %dma_start3A_921 = arith.constant 128 : i32
    %dma_start3A_922 = arith.constant 0 : i32
    %dma_start3A_923 = tpu.memref_slice %arg13[%dma_start3A_920, %dma_start3A_921, %dma_start3A_922] : memref<5x256x32xf32, #tpu.memory_space<vmem>> -> memref<1x128x32xf32, #tpu.memory_space<vmem>>
    %dma_start3A_924 = tpu.memref_squeeze %dma_start3A_923 : memref<1x128x32xf32, #tpu.memory_space<vmem>> -> memref<128x32xf32, #tpu.memory_space<vmem>>
    %dma_start3A_925 = arith.constant 0 : i32
    %dma_start3A_926 = tpu.memref_slice %arg12[%dma_start3A_918, %dma_start3A_919, %dma_start3A_925] : memref<5x2x128xi32, #tpu.memory_space<vmem>> -> memref<1x1x128xi32, #tpu.memory_space<vmem>>
    %dma_start3A_927 = tpu.memref_squeeze %dma_start3A_926 : memref<1x1x128xi32, #tpu.memory_space<vmem>> -> memref<128xi32, #tpu.memory_space<vmem>>
    %dma_start3A_928 = arith.constant 0 : i32
    %dma_start3A_929 = arith.constant 0 : i32
    %dma_start3A_930 = tpu.memref_slice %arg3[%dma_start3A_928, %dma_start3A_929] : memref<1000000x32xf32, #tpu.memory_space<hbm>> -> memref<1000000x32xf32, #tpu.memory_space<hbm>>
    tpu.enqueue_indirect_dma source(%dma_start3A_930 : memref<1000000x32xf32, #tpu.memory_space<hbm>>) target(%dma_start3A_924 : memref<128x32xf32, #tpu.memory_space<vmem>>) offsets(%dma_start3A_927 : memref<128xi32, #tpu.memory_space<vmem>>) semaphore(%arg14 : memref<!tpu.dma_semaphore, #tpu.memory_space<semaphore_mem>>)
    %dma_start3A_931 = arith.constant 3 : i32
    %dma_start3A_932 = arith.constant 0 : i32
    %dma_start3A_933 = arith.constant 3 : i32
    %dma_start3A_934 = arith.constant 0 : i32
    %dma_start3A_935 = arith.constant 0 : i32
    %dma_start3A_936 = tpu.memref_slice %arg13[%dma_start3A_933, %dma_start3A_934, %dma_start3A_935] : memref<5x256x32xf32, #tpu.memory_space<vmem>> -> memref<1x128x32xf32, #tpu.memory_space<vmem>>
    %dma_start3A_937 = tpu.memref_squeeze %dma_start3A_936 : memref<1x128x32xf32, #tpu.memory_space<vmem>> -> memref<128x32xf32, #tpu.memory_space<vmem>>
    %dma_start3A_938 = arith.constant 0 : i32
    %dma_start3A_939 = tpu.memref_slice %arg12[%dma_start3A_931, %dma_start3A_932, %dma_start3A_938] : memref<5x2x128xi32, #tpu.memory_space<vmem>> -> memref<1x1x128xi32, #tpu.memory_space<vmem>>
    %dma_start3A_940 = tpu.memref_squeeze %dma_start3A_939 : memref<1x1x128xi32, #tpu.memory_space<vmem>> -> memref<128xi32, #tpu.memory_space<vmem>>
    %dma_start3A_941 = arith.constant 0 : i32
    %dma_start3A_942 = arith.constant 0 : i32
    %dma_start3A_943 = tpu.memref_slice %arg3[%dma_start3A_941, %dma_start3A_942] : memref<1000000x32xf32, #tpu.memory_space<hbm>> -> memref<1000000x32xf32, #tpu.memory_space<hbm>>
    tpu.enqueue_indirect_dma source(%dma_start3A_943 : memref<1000000x32xf32, #tpu.memory_space<hbm>>) target(%dma_start3A_937 : memref<128x32xf32, #tpu.memory_space<vmem>>) offsets(%dma_start3A_940 : memref<128xi32, #tpu.memory_space<vmem>>) semaphore(%arg14 : memref<!tpu.dma_semaphore, #tpu.memory_space<semaphore_mem>>)
    %dma_start3A_944 = arith.constant 3 : i32
    %dma_start3A_945 = arith.constant 1 : i32
    %dma_start3A_946 = arith.constant 3 : i32
    %dma_start3A_947 = arith.constant 128 : i32
    %dma_start3A_948 = arith.constant 0 : i32
    %dma_start3A_949 = tpu.memref_slice %arg13[%dma_start3A_946, %dma_start3A_947, %dma_start3A_948] : memref<5x256x32xf32, #tpu.memory_space<vmem>> -> memref<1x128x32xf32, #tpu.memory_space<vmem>>
    %dma_start3A_950 = tpu.memref_squeeze %dma_start3A_949 : memref<1x128x32xf32, #tpu.memory_space<vmem>> -> memref<128x32xf32, #tpu.memory_space<vmem>>
    %dma_start3A_951 = arith.constant 0 : i32
    %dma_start3A_952 = tpu.memref_slice %arg12[%dma_start3A_944, %dma_start3A_945, %dma_start3A_951] : memref<5x2x128xi32, #tpu.memory_space<vmem>> -> memref<1x1x128xi32, #tpu.memory_space<vmem>>
    %dma_start3A_953 = tpu.memref_squeeze %dma_start3A_952 : memref<1x1x128xi32, #tpu.memory_space<vmem>> -> memref<128xi32, #tpu.memory_space<vmem>>
    %dma_start3A_954 = arith.constant 0 : i32
    %dma_start3A_955 = arith.constant 0 : i32
    %dma_start3A_956 = tpu.memref_slice %arg3[%dma_start3A_954, %dma_start3A_955] : memref<1000000x32xf32, #tpu.memory_space<hbm>> -> memref<1000000x32xf32, #tpu.memory_space<hbm>>
    tpu.enqueue_indirect_dma source(%dma_start3A_956 : memref<1000000x32xf32, #tpu.memory_space<hbm>>) target(%dma_start3A_950 : memref<128x32xf32, #tpu.memory_space<vmem>>) offsets(%dma_start3A_953 : memref<128xi32, #tpu.memory_space<vmem>>) semaphore(%arg14 : memref<!tpu.dma_semaphore, #tpu.memory_space<semaphore_mem>>)
    %dma_start3A_957 = arith.constant 4 : i32
    %dma_start3A_958 = arith.constant 0 : i32
    %dma_start3A_959 = arith.constant 4 : i32
    %dma_start3A_960 = arith.constant 0 : i32
    %dma_start3A_961 = arith.constant 0 : i32
    %dma_start3A_962 = tpu.memref_slice %arg13[%dma_start3A_959, %dma_start3A_960, %dma_start3A_961] : memref<5x256x32xf32, #tpu.memory_space<vmem>> -> memref<1x128x32xf32, #tpu.memory_space<vmem>>
    %dma_start3A_963 = tpu.memref_squeeze %dma_start3A_962 : memref<1x128x32xf32, #tpu.memory_space<vmem>> -> memref<128x32xf32, #tpu.memory_space<vmem>>
    %dma_start3A_964 = arith.constant 0 : i32
    %dma_start3A_965 = tpu.memref_slice %arg12[%dma_start3A_957, %dma_start3A_958, %dma_start3A_964] : memref<5x2x128xi32, #tpu.memory_space<vmem>> -> memref<1x1x128xi32, #tpu.memory_space<vmem>>
    %dma_start3A_966 = tpu.memref_squeeze %dma_start3A_965 : memref<1x1x128xi32, #tpu.memory_space<vmem>> -> memref<128xi32, #tpu.memory_space<vmem>>
    %dma_start3A_967 = arith.constant 0 : i32
    %dma_start3A_968 = arith.constant 0 : i32
    %dma_start3A_969 = tpu.memref_slice %arg3[%dma_start3A_967, %dma_start3A_968] : memref<1000000x32xf32, #tpu.memory_space<hbm>> -> memref<1000000x32xf32, #tpu.memory_space<hbm>>
    tpu.enqueue_indirect_dma source(%dma_start3A_969 : memref<1000000x32xf32, #tpu.memory_space<hbm>>) target(%dma_start3A_963 : memref<128x32xf32, #tpu.memory_space<vmem>>) offsets(%dma_start3A_966 : memref<128xi32, #tpu.memory_space<vmem>>) semaphore(%arg14 : memref<!tpu.dma_semaphore, #tpu.memory_space<semaphore_mem>>)
    %dma_start3A_970 = arith.constant 4 : i32
    %dma_start3A_971 = arith.constant 1 : i32
    %dma_start3A_972 = arith.constant 4 : i32
    %dma_start3A_973 = arith.constant 128 : i32
    %dma_start3A_974 = arith.constant 0 : i32
    %dma_start3A_975 = tpu.memref_slice %arg13[%dma_start3A_972, %dma_start3A_973, %dma_start3A_974] : memref<5x256x32xf32, #tpu.memory_space<vmem>> -> memref<1x128x32xf32, #tpu.memory_space<vmem>>
    %dma_start3A_976 = tpu.memref_squeeze %dma_start3A_975 : memref<1x128x32xf32, #tpu.memory_space<vmem>> -> memref<128x32xf32, #tpu.memory_space<vmem>>
    %dma_start3A_977 = arith.constant 0 : i32
    %dma_start3A_978 = tpu.memref_slice %arg12[%dma_start3A_970, %dma_start3A_971, %dma_start3A_977] : memref<5x2x128xi32, #tpu.memory_space<vmem>> -> memref<1x1x128xi32, #tpu.memory_space<vmem>>
    %dma_start3A_979 = tpu.memref_squeeze %dma_start3A_978 : memref<1x1x128xi32, #tpu.memory_space<vmem>> -> memref<128xi32, #tpu.memory_space<vmem>>
    %dma_start3A_980 = arith.constant 0 : i32
    %dma_start3A_981 = arith.constant 0 : i32
    %dma_start3A_982 = tpu.memref_slice %arg3[%dma_start3A_980, %dma_start3A_981] : memref<1000000x32xf32, #tpu.memory_space<hbm>> -> memref<1000000x32xf32, #tpu.memory_space<hbm>>
    tpu.enqueue_indirect_dma source(%dma_start3A_982 : memref<1000000x32xf32, #tpu.memory_space<hbm>>) target(%dma_start3A_976 : memref<128x32xf32, #tpu.memory_space<vmem>>) offsets(%dma_start3A_979 : memref<128xi32, #tpu.memory_space<vmem>>) semaphore(%arg14 : memref<!tpu.dma_semaphore, #tpu.memory_space<semaphore_mem>>)
    %dma_wait3A = arith.constant 0 : i32
    %dma_wait3A_983 = arith.constant 0 : i32
    %dma_wait3A_984 = arith.constant 0 : i32
    %dma_wait3A_985 = arith.constant 0 : i32
    %dma_wait3A_986 = arith.constant 0 : i32
    %dma_wait3A_987 = tpu.memref_slice %arg13[%dma_wait3A_984, %dma_wait3A_985, %dma_wait3A_986] : memref<5x256x32xf32, #tpu.memory_space<vmem>> -> memref<1x128x32xf32, #tpu.memory_space<vmem>>
    %dma_wait3A_988 = tpu.memref_squeeze %dma_wait3A_987 : memref<1x128x32xf32, #tpu.memory_space<vmem>> -> memref<128x32xf32, #tpu.memory_space<vmem>>
    %dma_wait3A_989 = arith.constant 0 : i32
    %dma_wait3A_990 = tpu.memref_slice %arg12[%dma_wait3A, %dma_wait3A_983, %dma_wait3A_989] : memref<5x2x128xi32, #tpu.memory_space<vmem>> -> memref<1x1x128xi32, #tpu.memory_space<vmem>>
    %dma_wait3A_991 = tpu.memref_squeeze %dma_wait3A_990 : memref<1x1x128xi32, #tpu.memory_space<vmem>> -> memref<128xi32, #tpu.memory_space<vmem>>
    %dma_wait3A_992 = arith.constant 0 : i32
    %dma_wait3A_993 = arith.constant 0 : i32
    %dma_wait3A_994 = tpu.memref_slice %arg3[%dma_wait3A_992, %dma_wait3A_993] : memref<1000000x32xf32, #tpu.memory_space<hbm>> -> memref<1000000x32xf32, #tpu.memory_space<hbm>>
    tpu.wait_indirect_dma semaphore(%arg14 : memref<!tpu.dma_semaphore, #tpu.memory_space<semaphore_mem>>) src(%dma_wait3A_994 : memref<1000000x32xf32, #tpu.memory_space<hbm>>) dst(%dma_wait3A_988 : memref<128x32xf32, #tpu.memory_space<vmem>>)
    %dma_wait3A_995 = arith.constant 0 : i32
    %dma_wait3A_996 = arith.constant 1 : i32
    %dma_wait3A_997 = arith.constant 0 : i32
    %dma_wait3A_998 = arith.constant 128 : i32
    %dma_wait3A_999 = arith.constant 0 : i32
    %dma_wait3A_1000 = tpu.memref_slice %arg13[%dma_wait3A_997, %dma_wait3A_998, %dma_wait3A_999] : memref<5x256x32xf32, #tpu.memory_space<vmem>> -> memref<1x128x32xf32, #tpu.memory_space<vmem>>
    %dma_wait3A_1001 = tpu.memref_squeeze %dma_wait3A_1000 : memref<1x128x32xf32, #tpu.memory_space<vmem>> -> memref<128x32xf32, #tpu.memory_space<vmem>>
    %dma_wait3A_1002 = arith.constant 0 : i32
    %dma_wait3A_1003 = tpu.memref_slice %arg12[%dma_wait3A_995, %dma_wait3A_996, %dma_wait3A_1002] : memref<5x2x128xi32, #tpu.memory_space<vmem>> -> memref<1x1x128xi32, #tpu.memory_space<vmem>>
    %dma_wait3A_1004 = tpu.memref_squeeze %dma_wait3A_1003 : memref<1x1x128xi32, #tpu.memory_space<vmem>> -> memref<128xi32, #tpu.memory_space<vmem>>
    %dma_wait3A_1005 = arith.constant 0 : i32
    %dma_wait3A_1006 = arith.constant 0 : i32
    %dma_wait3A_1007 = tpu.memref_slice %arg3[%dma_wait3A_1005, %dma_wait3A_1006] : memref<1000000x32xf32, #tpu.memory_space<hbm>> -> memref<1000000x32xf32, #tpu.memory_space<hbm>>
    tpu.wait_indirect_dma semaphore(%arg14 : memref<!tpu.dma_semaphore, #tpu.memory_space<semaphore_mem>>) src(%dma_wait3A_1007 : memref<1000000x32xf32, #tpu.memory_space<hbm>>) dst(%dma_wait3A_1001 : memref<128x32xf32, #tpu.memory_space<vmem>>)
    %dma_wait3A_1008 = arith.constant 1 : i32
    %dma_wait3A_1009 = arith.constant 0 : i32
    %dma_wait3A_1010 = arith.constant 1 : i32
    %dma_wait3A_1011 = arith.constant 0 : i32
    %dma_wait3A_1012 = arith.constant 0 : i32
    %dma_wait3A_1013 = tpu.memref_slice %arg13[%dma_wait3A_1010, %dma_wait3A_1011, %dma_wait3A_1012] : memref<5x256x32xf32, #tpu.memory_space<vmem>> -> memref<1x128x32xf32, #tpu.memory_space<vmem>>
    %dma_wait3A_1014 = tpu.memref_squeeze %dma_wait3A_1013 : memref<1x128x32xf32, #tpu.memory_space<vmem>> -> memref<128x32xf32, #tpu.memory_space<vmem>>
    %dma_wait3A_1015 = arith.constant 0 : i32
    %dma_wait3A_1016 = tpu.memref_slice %arg12[%dma_wait3A_1008, %dma_wait3A_1009, %dma_wait3A_1015] : memref<5x2x128xi32, #tpu.memory_space<vmem>> -> memref<1x1x128xi32, #tpu.memory_space<vmem>>
    %dma_wait3A_1017 = tpu.memref_squeeze %dma_wait3A_1016 : memref<1x1x128xi32, #tpu.memory_space<vmem>> -> memref<128xi32, #tpu.memory_space<vmem>>
    %dma_wait3A_1018 = arith.constant 0 : i32
    %dma_wait3A_1019 = arith.constant 0 : i32
    %dma_wait3A_1020 = tpu.memref_slice %arg4[%dma_wait3A_1018, %dma_wait3A_1019] : memref<1000000x32xf32, #tpu.memory_space<hbm>> -> memref<1000000x32xf32, #tpu.memory_space<hbm>>
    tpu.wait_indirect_dma semaphore(%arg14 : memref<!tpu.dma_semaphore, #tpu.memory_space<semaphore_mem>>) src(%dma_wait3A_1020 : memref<1000000x32xf32, #tpu.memory_space<hbm>>) dst(%dma_wait3A_1014 : memref<128x32xf32, #tpu.memory_space<vmem>>)
    %dma_wait3A_1021 = arith.constant 1 : i32
    %dma_wait3A_1022 = arith.constant 1 : i32
    %dma_wait3A_1023 = arith.constant 1 : i32
    %dma_wait3A_1024 = arith.constant 128 : i32
    %dma_wait3A_1025 = arith.constant 0 : i32
    %dma_wait3A_1026 = tpu.memref_slice %arg13[%dma_wait3A_1023, %dma_wait3A_1024, %dma_wait3A_1025] : memref<5x256x32xf32, #tpu.memory_space<vmem>> -> memref<1x128x32xf32, #tpu.memory_space<vmem>>
    %dma_wait3A_1027 = tpu.memref_squeeze %dma_wait3A_1026 : memref<1x128x32xf32, #tpu.memory_space<vmem>> -> memref<128x32xf32, #tpu.memory_space<vmem>>
    %dma_wait3A_1028 = arith.constant 0 : i32
    %dma_wait3A_1029 = tpu.memref_slice %arg12[%dma_wait3A_1021, %dma_wait3A_1022, %dma_wait3A_1028] : memref<5x2x128xi32, #tpu.memory_space<vmem>> -> memref<1x1x128xi32, #tpu.memory_space<vmem>>
    %dma_wait3A_1030 = tpu.memref_squeeze %dma_wait3A_1029 : memref<1x1x128xi32, #tpu.memory_space<vmem>> -> memref<128xi32, #tpu.memory_space<vmem>>
    %dma_wait3A_1031 = arith.constant 0 : i32
    %dma_wait3A_1032 = arith.constant 0 : i32
    %dma_wait3A_1033 = tpu.memref_slice %arg4[%dma_wait3A_1031, %dma_wait3A_1032] : memref<1000000x32xf32, #tpu.memory_space<hbm>> -> memref<1000000x32xf32, #tpu.memory_space<hbm>>
    tpu.wait_indirect_dma semaphore(%arg14 : memref<!tpu.dma_semaphore, #tpu.memory_space<semaphore_mem>>) src(%dma_wait3A_1033 : memref<1000000x32xf32, #tpu.memory_space<hbm>>) dst(%dma_wait3A_1027 : memref<128x32xf32, #tpu.memory_space<vmem>>)
    %dma_wait3A_1034 = arith.constant 2 : i32
    %dma_wait3A_1035 = arith.constant 0 : i32
    %dma_wait3A_1036 = arith.constant 2 : i32
    %dma_wait3A_1037 = arith.constant 0 : i32
    %dma_wait3A_1038 = arith.constant 0 : i32
    %dma_wait3A_1039 = tpu.memref_slice %arg13[%dma_wait3A_1036, %dma_wait3A_1037, %dma_wait3A_1038] : memref<5x256x32xf32, #tpu.memory_space<vmem>> -> memref<1x128x32xf32, #tpu.memory_space<vmem>>
    %dma_wait3A_1040 = tpu.memref_squeeze %dma_wait3A_1039 : memref<1x128x32xf32, #tpu.memory_space<vmem>> -> memref<128x32xf32, #tpu.memory_space<vmem>>
    %dma_wait3A_1041 = arith.constant 0 : i32
    %dma_wait3A_1042 = tpu.memref_slice %arg12[%dma_wait3A_1034, %dma_wait3A_1035, %dma_wait3A_1041] : memref<5x2x128xi32, #tpu.memory_space<vmem>> -> memref<1x1x128xi32, #tpu.memory_space<vmem>>
    %dma_wait3A_1043 = tpu.memref_squeeze %dma_wait3A_1042 : memref<1x1x128xi32, #tpu.memory_space<vmem>> -> memref<128xi32, #tpu.memory_space<vmem>>
    %dma_wait3A_1044 = arith.constant 0 : i32
    %dma_wait3A_1045 = arith.constant 0 : i32
    %dma_wait3A_1046 = tpu.memref_slice %arg3[%dma_wait3A_1044, %dma_wait3A_1045] : memref<1000000x32xf32, #tpu.memory_space<hbm>> -> memref<1000000x32xf32, #tpu.memory_space<hbm>>
    tpu.wait_indirect_dma semaphore(%arg14 : memref<!tpu.dma_semaphore, #tpu.memory_space<semaphore_mem>>) src(%dma_wait3A_1046 : memref<1000000x32xf32, #tpu.memory_space<hbm>>) dst(%dma_wait3A_1040 : memref<128x32xf32, #tpu.memory_space<vmem>>)
    %dma_wait3A_1047 = arith.constant 2 : i32
    %dma_wait3A_1048 = arith.constant 1 : i32
    %dma_wait3A_1049 = arith.constant 2 : i32
    %dma_wait3A_1050 = arith.constant 128 : i32
    %dma_wait3A_1051 = arith.constant 0 : i32
    %dma_wait3A_1052 = tpu.memref_slice %arg13[%dma_wait3A_1049, %dma_wait3A_1050, %dma_wait3A_1051] : memref<5x256x32xf32, #tpu.memory_space<vmem>> -> memref<1x128x32xf32, #tpu.memory_space<vmem>>
    %dma_wait3A_1053 = tpu.memref_squeeze %dma_wait3A_1052 : memref<1x128x32xf32, #tpu.memory_space<vmem>> -> memref<128x32xf32, #tpu.memory_space<vmem>>
    %dma_wait3A_1054 = arith.constant 0 : i32
    %dma_wait3A_1055 = tpu.memref_slice %arg12[%dma_wait3A_1047, %dma_wait3A_1048, %dma_wait3A_1054] : memref<5x2x128xi32, #tpu.memory_space<vmem>> -> memref<1x1x128xi32, #tpu.memory_space<vmem>>
    %dma_wait3A_1056 = tpu.memref_squeeze %dma_wait3A_1055 : memref<1x1x128xi32, #tpu.memory_space<vmem>> -> memref<128xi32, #tpu.memory_space<vmem>>
    %dma_wait3A_1057 = arith.constant 0 : i32
    %dma_wait3A_1058 = arith.constant 0 : i32
    %dma_wait3A_1059 = tpu.memref_slice %arg3[%dma_wait3A_1057, %dma_wait3A_1058] : memref<1000000x32xf32, #tpu.memory_space<hbm>> -> memref<1000000x32xf32, #tpu.memory_space<hbm>>
    tpu.wait_indirect_dma semaphore(%arg14 : memref<!tpu.dma_semaphore, #tpu.memory_space<semaphore_mem>>) src(%dma_wait3A_1059 : memref<1000000x32xf32, #tpu.memory_space<hbm>>) dst(%dma_wait3A_1053 : memref<128x32xf32, #tpu.memory_space<vmem>>)
    %dma_wait3A_1060 = arith.constant 3 : i32
    %dma_wait3A_1061 = arith.constant 0 : i32
    %dma_wait3A_1062 = arith.constant 3 : i32
    %dma_wait3A_1063 = arith.constant 0 : i32
    %dma_wait3A_1064 = arith.constant 0 : i32
    %dma_wait3A_1065 = tpu.memref_slice %arg13[%dma_wait3A_1062, %dma_wait3A_1063, %dma_wait3A_1064] : memref<5x256x32xf32, #tpu.memory_space<vmem>> -> memref<1x128x32xf32, #tpu.memory_space<vmem>>
    %dma_wait3A_1066 = tpu.memref_squeeze %dma_wait3A_1065 : memref<1x128x32xf32, #tpu.memory_space<vmem>> -> memref<128x32xf32, #tpu.memory_space<vmem>>
    %dma_wait3A_1067 = arith.constant 0 : i32
    %dma_wait3A_1068 = tpu.memref_slice %arg12[%dma_wait3A_1060, %dma_wait3A_1061, %dma_wait3A_1067] : memref<5x2x128xi32, #tpu.memory_space<vmem>> -> memref<1x1x128xi32, #tpu.memory_space<vmem>>
    %dma_wait3A_1069 = tpu.memref_squeeze %dma_wait3A_1068 : memref<1x1x128xi32, #tpu.memory_space<vmem>> -> memref<128xi32, #tpu.memory_space<vmem>>
    %dma_wait3A_1070 = arith.constant 0 : i32
    %dma_wait3A_1071 = arith.constant 0 : i32
    %dma_wait3A_1072 = tpu.memref_slice %arg3[%dma_wait3A_1070, %dma_wait3A_1071] : memref<1000000x32xf32, #tpu.memory_space<hbm>> -> memref<1000000x32xf32, #tpu.memory_space<hbm>>
    tpu.wait_indirect_dma semaphore(%arg14 : memref<!tpu.dma_semaphore, #tpu.memory_space<semaphore_mem>>) src(%dma_wait3A_1072 : memref<1000000x32xf32, #tpu.memory_space<hbm>>) dst(%dma_wait3A_1066 : memref<128x32xf32, #tpu.memory_space<vmem>>)
    %dma_wait3A_1073 = arith.constant 3 : i32
    %dma_wait3A_1074 = arith.constant 1 : i32
    %dma_wait3A_1075 = arith.constant 3 : i32
    %dma_wait3A_1076 = arith.constant 128 : i32
    %dma_wait3A_1077 = arith.constant 0 : i32
    %dma_wait3A_1078 = tpu.memref_slice %arg13[%dma_wait3A_1075, %dma_wait3A_1076, %dma_wait3A_1077] : memref<5x256x32xf32, #tpu.memory_space<vmem>> -> memref<1x128x32xf32, #tpu.memory_space<vmem>>
    %dma_wait3A_1079 = tpu.memref_squeeze %dma_wait3A_1078 : memref<1x128x32xf32, #tpu.memory_space<vmem>> -> memref<128x32xf32, #tpu.memory_space<vmem>>
    %dma_wait3A_1080 = arith.constant 0 : i32
    %dma_wait3A_1081 = tpu.memref_slice %arg12[%dma_wait3A_1073, %dma_wait3A_1074, %dma_wait3A_1080] : memref<5x2x128xi32, #tpu.memory_space<vmem>> -> memref<1x1x128xi32, #tpu.memory_space<vmem>>
    %dma_wait3A_1082 = tpu.memref_squeeze %dma_wait3A_1081 : memref<1x1x128xi32, #tpu.memory_space<vmem>> -> memref<128xi32, #tpu.memory_space<vmem>>
    %dma_wait3A_1083 = arith.constant 0 : i32
    %dma_wait3A_1084 = arith.constant 0 : i32
    %dma_wait3A_1085 = tpu.memref_slice %arg3[%dma_wait3A_1083, %dma_wait3A_1084] : memref<1000000x32xf32, #tpu.memory_space<hbm>> -> memref<1000000x32xf32, #tpu.memory_space<hbm>>
    tpu.wait_indirect_dma semaphore(%arg14 : memref<!tpu.dma_semaphore, #tpu.memory_space<semaphore_mem>>) src(%dma_wait3A_1085 : memref<1000000x32xf32, #tpu.memory_space<hbm>>) dst(%dma_wait3A_1079 : memref<128x32xf32, #tpu.memory_space<vmem>>)
    %dma_wait3A_1086 = arith.constant 4 : i32
    %dma_wait3A_1087 = arith.constant 0 : i32
    %dma_wait3A_1088 = arith.constant 4 : i32
    %dma_wait3A_1089 = arith.constant 0 : i32
    %dma_wait3A_1090 = arith.constant 0 : i32
    %dma_wait3A_1091 = tpu.memref_slice %arg13[%dma_wait3A_1088, %dma_wait3A_1089, %dma_wait3A_1090] : memref<5x256x32xf32, #tpu.memory_space<vmem>> -> memref<1x128x32xf32, #tpu.memory_space<vmem>>
    %dma_wait3A_1092 = tpu.memref_squeeze %dma_wait3A_1091 : memref<1x128x32xf32, #tpu.memory_space<vmem>> -> memref<128x32xf32, #tpu.memory_space<vmem>>
    %dma_wait3A_1093 = arith.constant 0 : i32
    %dma_wait3A_1094 = tpu.memref_slice %arg12[%dma_wait3A_1086, %dma_wait3A_1087, %dma_wait3A_1093] : memref<5x2x128xi32, #tpu.memory_space<vmem>> -> memref<1x1x128xi32, #tpu.memory_space<vmem>>
    %dma_wait3A_1095 = tpu.memref_squeeze %dma_wait3A_1094 : memref<1x1x128xi32, #tpu.memory_space<vmem>> -> memref<128xi32, #tpu.memory_space<vmem>>
    %dma_wait3A_1096 = arith.constant 0 : i32
    %dma_wait3A_1097 = arith.constant 0 : i32
    %dma_wait3A_1098 = tpu.memref_slice %arg3[%dma_wait3A_1096, %dma_wait3A_1097] : memref<1000000x32xf32, #tpu.memory_space<hbm>> -> memref<1000000x32xf32, #tpu.memory_space<hbm>>
    tpu.wait_indirect_dma semaphore(%arg14 : memref<!tpu.dma_semaphore, #tpu.memory_space<semaphore_mem>>) src(%dma_wait3A_1098 : memref<1000000x32xf32, #tpu.memory_space<hbm>>) dst(%dma_wait3A_1092 : memref<128x32xf32, #tpu.memory_space<vmem>>)
    %dma_wait3A_1099 = arith.constant 4 : i32
    %dma_wait3A_1100 = arith.constant 1 : i32
    %dma_wait3A_1101 = arith.constant 4 : i32
    %dma_wait3A_1102 = arith.constant 128 : i32
    %dma_wait3A_1103 = arith.constant 0 : i32
    %dma_wait3A_1104 = tpu.memref_slice %arg13[%dma_wait3A_1101, %dma_wait3A_1102, %dma_wait3A_1103] : memref<5x256x32xf32, #tpu.memory_space<vmem>> -> memref<1x128x32xf32, #tpu.memory_space<vmem>>
    %dma_wait3A_1105 = tpu.memref_squeeze %dma_wait3A_1104 : memref<1x128x32xf32, #tpu.memory_space<vmem>> -> memref<128x32xf32, #tpu.memory_space<vmem>>
    %dma_wait3A_1106 = arith.constant 0 : i32
    %dma_wait3A_1107 = tpu.memref_slice %arg12[%dma_wait3A_1099, %dma_wait3A_1100, %dma_wait3A_1106] : memref<5x2x128xi32, #tpu.memory_space<vmem>> -> memref<1x1x128xi32, #tpu.memory_space<vmem>>
    %dma_wait3A_1108 = tpu.memref_squeeze %dma_wait3A_1107 : memref<1x1x128xi32, #tpu.memory_space<vmem>> -> memref<128xi32, #tpu.memory_space<vmem>>
    %dma_wait3A_1109 = arith.constant 0 : i32
    %dma_wait3A_1110 = arith.constant 0 : i32
    %dma_wait3A_1111 = tpu.memref_slice %arg3[%dma_wait3A_1109, %dma_wait3A_1110] : memref<1000000x32xf32, #tpu.memory_space<hbm>> -> memref<1000000x32xf32, #tpu.memory_space<hbm>>
    tpu.wait_indirect_dma semaphore(%arg14 : memref<!tpu.dma_semaphore, #tpu.memory_space<semaphore_mem>>) src(%dma_wait3A_1111 : memref<1000000x32xf32, #tpu.memory_space<hbm>>) dst(%dma_wait3A_1105 : memref<128x32xf32, #tpu.memory_space<vmem>>)
    %mul3A_1112 = arith.constant 256 : i32
    %mul3A_1113 = arith.muli %add3A, %mul3A_1112 : i32
    %dma_start3A_1114 = arith.constant 0 : i32
    %dma_start3A_1115 = arith.constant 0 : i32
    %dma_start3A_1116 = arith.constant 0 : i32
    %dma_start3A_1117 = tpu.memref_slice %arg13[%dma_start3A_1114, %dma_start3A_1115, %dma_start3A_1116] : memref<5x256x32xf32, #tpu.memory_space<vmem>> -> memref<1x256x32xf32, #tpu.memory_space<vmem>>
    %dma_start3A_1118 = tpu.memref_squeeze %dma_start3A_1117 : memref<1x256x32xf32, #tpu.memory_space<vmem>> -> memref<256x32xf32, #tpu.memory_space<vmem>>
    %dma_start3A_1119 = arith.constant 0 : i32
    %dma_start3A_1120 = tpu.memref_slice %arg5[%mul3A_1113, %dma_start3A_1119] : memref<8192x32xf32, #tpu.memory_space<hbm>> -> memref<256x32xf32, #tpu.memory_space<hbm>>
    %dma_start3A_1121 = arith.constant 0 : i32
    %dma_start3A_1122 = tpu.memref_slice %arg5[%mul3A_1113, %dma_start3A_1121] : memref<8192x32xf32, #tpu.memory_space<hbm>> -> memref<256x32xf32, #tpu.memory_space<hbm>>
    %dma_start3A_1123 = arith.constant 0 : i32
    %dma_start3A_1124 = arith.constant 0 : i32
    %dma_start3A_1125 = tpu.memref_slice %arg13[%dma_start3A_1114, %dma_start3A_1123, %dma_start3A_1124] : memref<5x256x32xf32, #tpu.memory_space<vmem>> -> memref<1x256x32xf32, #tpu.memory_space<vmem>>
    %dma_start3A_1126 = tpu.memref_squeeze %dma_start3A_1125 : memref<1x256x32xf32, #tpu.memory_space<vmem>> -> memref<256x32xf32, #tpu.memory_space<vmem>>
    tpu.enqueue_dma source(%dma_start3A_1126 : memref<256x32xf32, #tpu.memory_space<vmem>>) target(%dma_start3A_1122 : memref<256x32xf32, #tpu.memory_space<hbm>>) target_semaphore(%arg15 : memref<!tpu.dma_semaphore, #tpu.memory_space<semaphore_mem>>)
    %mul3A_1127 = arith.constant 256 : i32
    %mul3A_1128 = arith.muli %add3A, %mul3A_1127 : i32
    %dma_start3A_1129 = arith.constant 1 : i32
    %dma_start3A_1130 = arith.constant 0 : i32
    %dma_start3A_1131 = arith.constant 0 : i32
    %dma_start3A_1132 = tpu.memref_slice %arg13[%dma_start3A_1129, %dma_start3A_1130, %dma_start3A_1131] : memref<5x256x32xf32, #tpu.memory_space<vmem>> -> memref<1x256x32xf32, #tpu.memory_space<vmem>>
    %dma_start3A_1133 = tpu.memref_squeeze %dma_start3A_1132 : memref<1x256x32xf32, #tpu.memory_space<vmem>> -> memref<256x32xf32, #tpu.memory_space<vmem>>
    %dma_start3A_1134 = arith.constant 0 : i32
    %dma_start3A_1135 = tpu.memref_slice %arg6[%mul3A_1128, %dma_start3A_1134] : memref<8192x32xf32, #tpu.memory_space<hbm>> -> memref<256x32xf32, #tpu.memory_space<hbm>>
    %dma_start3A_1136 = arith.constant 0 : i32
    %dma_start3A_1137 = tpu.memref_slice %arg6[%mul3A_1128, %dma_start3A_1136] : memref<8192x32xf32, #tpu.memory_space<hbm>> -> memref<256x32xf32, #tpu.memory_space<hbm>>
    %dma_start3A_1138 = arith.constant 0 : i32
    %dma_start3A_1139 = arith.constant 0 : i32
    %dma_start3A_1140 = tpu.memref_slice %arg13[%dma_start3A_1129, %dma_start3A_1138, %dma_start3A_1139] : memref<5x256x32xf32, #tpu.memory_space<vmem>> -> memref<1x256x32xf32, #tpu.memory_space<vmem>>
    %dma_start3A_1141 = tpu.memref_squeeze %dma_start3A_1140 : memref<1x256x32xf32, #tpu.memory_space<vmem>> -> memref<256x32xf32, #tpu.memory_space<vmem>>
    tpu.enqueue_dma source(%dma_start3A_1141 : memref<256x32xf32, #tpu.memory_space<vmem>>) target(%dma_start3A_1137 : memref<256x32xf32, #tpu.memory_space<hbm>>) target_semaphore(%arg15 : memref<!tpu.dma_semaphore, #tpu.memory_space<semaphore_mem>>)
    %mul3A_1142 = arith.constant 256 : i32
    %mul3A_1143 = arith.muli %add3A, %mul3A_1142 : i32
    %dma_start3A_1144 = arith.constant 2 : i32
    %dma_start3A_1145 = arith.constant 0 : i32
    %dma_start3A_1146 = arith.constant 0 : i32
    %dma_start3A_1147 = tpu.memref_slice %arg13[%dma_start3A_1144, %dma_start3A_1145, %dma_start3A_1146] : memref<5x256x32xf32, #tpu.memory_space<vmem>> -> memref<1x256x32xf32, #tpu.memory_space<vmem>>
    %dma_start3A_1148 = tpu.memref_squeeze %dma_start3A_1147 : memref<1x256x32xf32, #tpu.memory_space<vmem>> -> memref<256x32xf32, #tpu.memory_space<vmem>>
    %dma_start3A_1149 = arith.constant 0 : i32
    %dma_start3A_1150 = tpu.memref_slice %arg7[%mul3A_1143, %dma_start3A_1149] : memref<8192x32xf32, #tpu.memory_space<hbm>> -> memref<256x32xf32, #tpu.memory_space<hbm>>
    %dma_start3A_1151 = arith.constant 0 : i32
    %dma_start3A_1152 = tpu.memref_slice %arg7[%mul3A_1143, %dma_start3A_1151] : memref<8192x32xf32, #tpu.memory_space<hbm>> -> memref<256x32xf32, #tpu.memory_space<hbm>>
    %dma_start3A_1153 = arith.constant 0 : i32
    %dma_start3A_1154 = arith.constant 0 : i32
    %dma_start3A_1155 = tpu.memref_slice %arg13[%dma_start3A_1144, %dma_start3A_1153, %dma_start3A_1154] : memref<5x256x32xf32, #tpu.memory_space<vmem>> -> memref<1x256x32xf32, #tpu.memory_space<vmem>>
    %dma_start3A_1156 = tpu.memref_squeeze %dma_start3A_1155 : memref<1x256x32xf32, #tpu.memory_space<vmem>> -> memref<256x32xf32, #tpu.memory_space<vmem>>
    tpu.enqueue_dma source(%dma_start3A_1156 : memref<256x32xf32, #tpu.memory_space<vmem>>) target(%dma_start3A_1152 : memref<256x32xf32, #tpu.memory_space<hbm>>) target_semaphore(%arg15 : memref<!tpu.dma_semaphore, #tpu.memory_space<semaphore_mem>>)
    %mul3A_1157 = arith.constant 256 : i32
    %mul3A_1158 = arith.muli %add3A, %mul3A_1157 : i32
    %dma_start3A_1159 = arith.constant 3 : i32
    %dma_start3A_1160 = arith.constant 0 : i32
    %dma_start3A_1161 = arith.constant 0 : i32
    %dma_start3A_1162 = tpu.memref_slice %arg13[%dma_start3A_1159, %dma_start3A_1160, %dma_start3A_1161] : memref<5x256x32xf32, #tpu.memory_space<vmem>> -> memref<1x256x32xf32, #tpu.memory_space<vmem>>
    %dma_start3A_1163 = tpu.memref_squeeze %dma_start3A_1162 : memref<1x256x32xf32, #tpu.memory_space<vmem>> -> memref<256x32xf32, #tpu.memory_space<vmem>>
    %dma_start3A_1164 = arith.constant 0 : i32
    %dma_start3A_1165 = tpu.memref_slice %arg8[%mul3A_1158, %dma_start3A_1164] : memref<8192x32xf32, #tpu.memory_space<hbm>> -> memref<256x32xf32, #tpu.memory_space<hbm>>
    %dma_start3A_1166 = arith.constant 0 : i32
    %dma_start3A_1167 = tpu.memref_slice %arg8[%mul3A_1158, %dma_start3A_1166] : memref<8192x32xf32, #tpu.memory_space<hbm>> -> memref<256x32xf32, #tpu.memory_space<hbm>>
    %dma_start3A_1168 = arith.constant 0 : i32
    %dma_start3A_1169 = arith.constant 0 : i32
    %dma_start3A_1170 = tpu.memref_slice %arg13[%dma_start3A_1159, %dma_start3A_1168, %dma_start3A_1169] : memref<5x256x32xf32, #tpu.memory_space<vmem>> -> memref<1x256x32xf32, #tpu.memory_space<vmem>>
    %dma_start3A_1171 = tpu.memref_squeeze %dma_start3A_1170 : memref<1x256x32xf32, #tpu.memory_space<vmem>> -> memref<256x32xf32, #tpu.memory_space<vmem>>
    tpu.enqueue_dma source(%dma_start3A_1171 : memref<256x32xf32, #tpu.memory_space<vmem>>) target(%dma_start3A_1167 : memref<256x32xf32, #tpu.memory_space<hbm>>) target_semaphore(%arg15 : memref<!tpu.dma_semaphore, #tpu.memory_space<semaphore_mem>>)
    %mul3A_1172 = arith.constant 256 : i32
    %mul3A_1173 = arith.muli %add3A, %mul3A_1172 : i32
    %dma_start3A_1174 = arith.constant 4 : i32
    %dma_start3A_1175 = arith.constant 0 : i32
    %dma_start3A_1176 = arith.constant 0 : i32
    %dma_start3A_1177 = tpu.memref_slice %arg13[%dma_start3A_1174, %dma_start3A_1175, %dma_start3A_1176] : memref<5x256x32xf32, #tpu.memory_space<vmem>> -> memref<1x256x32xf32, #tpu.memory_space<vmem>>
    %dma_start3A_1178 = tpu.memref_squeeze %dma_start3A_1177 : memref<1x256x32xf32, #tpu.memory_space<vmem>> -> memref<256x32xf32, #tpu.memory_space<vmem>>
    %dma_start3A_1179 = arith.constant 0 : i32
    %dma_start3A_1180 = tpu.memref_slice %arg9[%mul3A_1173, %dma_start3A_1179] : memref<8192x32xf32, #tpu.memory_space<hbm>> -> memref<256x32xf32, #tpu.memory_space<hbm>>
    %dma_start3A_1181 = arith.constant 0 : i32
    %dma_start3A_1182 = tpu.memref_slice %arg9[%mul3A_1173, %dma_start3A_1181] : memref<8192x32xf32, #tpu.memory_space<hbm>> -> memref<256x32xf32, #tpu.memory_space<hbm>>
    %dma_start3A_1183 = arith.constant 0 : i32
    %dma_start3A_1184 = arith.constant 0 : i32
    %dma_start3A_1185 = tpu.memref_slice %arg13[%dma_start3A_1174, %dma_start3A_1183, %dma_start3A_1184] : memref<5x256x32xf32, #tpu.memory_space<vmem>> -> memref<1x256x32xf32, #tpu.memory_space<vmem>>
    %dma_start3A_1186 = tpu.memref_squeeze %dma_start3A_1185 : memref<1x256x32xf32, #tpu.memory_space<vmem>> -> memref<256x32xf32, #tpu.memory_space<vmem>>
    tpu.enqueue_dma source(%dma_start3A_1186 : memref<256x32xf32, #tpu.memory_space<vmem>>) target(%dma_start3A_1182 : memref<256x32xf32, #tpu.memory_space<hbm>>) target_semaphore(%arg15 : memref<!tpu.dma_semaphore, #tpu.memory_space<semaphore_mem>>)
    %dma_wait3A_1187 = arith.constant 0 : i32
    %dma_wait3A_1188 = arith.constant 0 : i32
    %dma_wait3A_1189 = arith.constant 0 : i32
    %dma_wait3A_1190 = tpu.memref_slice %arg13[%dma_wait3A_1187, %dma_wait3A_1188, %dma_wait3A_1189] : memref<5x256x32xf32, #tpu.memory_space<vmem>> -> memref<1x256x32xf32, #tpu.memory_space<vmem>>
    %dma_wait3A_1191 = tpu.memref_squeeze %dma_wait3A_1190 : memref<1x256x32xf32, #tpu.memory_space<vmem>> -> memref<256x32xf32, #tpu.memory_space<vmem>>
    %dma_wait3A_1192 = arith.constant 0 : i32
    %dma_wait3A_1193 = tpu.memref_slice %arg5[%mul3A_1113, %dma_wait3A_1192] : memref<8192x32xf32, #tpu.memory_space<hbm>> -> memref<256x32xf32, #tpu.memory_space<hbm>>
    %dma_wait3A_1194 = arith.constant 0 : i32
    %dma_wait3A_1195 = tpu.memref_slice %arg5[%mul3A_1113, %dma_wait3A_1194] : memref<8192x32xf32, #tpu.memory_space<hbm>> -> memref<256x32xf32, #tpu.memory_space<hbm>>
    %dma_wait3A_1196 = arith.constant 0 : i32
    %dma_wait3A_1197 = arith.constant 0 : i32
    %dma_wait3A_1198 = tpu.memref_slice %arg13[%dma_wait3A_1187, %dma_wait3A_1196, %dma_wait3A_1197] : memref<5x256x32xf32, #tpu.memory_space<vmem>> -> memref<1x256x32xf32, #tpu.memory_space<vmem>>
    %dma_wait3A_1199 = tpu.memref_squeeze %dma_wait3A_1198 : memref<1x256x32xf32, #tpu.memory_space<vmem>> -> memref<256x32xf32, #tpu.memory_space<vmem>>
    tpu.wait_dma2 semaphore(%arg15 : memref<!tpu.dma_semaphore, #tpu.memory_space<semaphore_mem>>) src(%dma_wait3A_1199 : memref<256x32xf32, #tpu.memory_space<vmem>>) dst(%dma_wait3A_1195 : memref<256x32xf32, #tpu.memory_space<hbm>>)
    %dma_wait3A_1200 = arith.constant 1 : i32
    %dma_wait3A_1201 = arith.constant 0 : i32
    %dma_wait3A_1202 = arith.constant 0 : i32
    %dma_wait3A_1203 = tpu.memref_slice %arg13[%dma_wait3A_1200, %dma_wait3A_1201, %dma_wait3A_1202] : memref<5x256x32xf32, #tpu.memory_space<vmem>> -> memref<1x256x32xf32, #tpu.memory_space<vmem>>
    %dma_wait3A_1204 = tpu.memref_squeeze %dma_wait3A_1203 : memref<1x256x32xf32, #tpu.memory_space<vmem>> -> memref<256x32xf32, #tpu.memory_space<vmem>>
    %dma_wait3A_1205 = arith.constant 0 : i32
    %dma_wait3A_1206 = tpu.memref_slice %arg6[%mul3A_1128, %dma_wait3A_1205] : memref<8192x32xf32, #tpu.memory_space<hbm>> -> memref<256x32xf32, #tpu.memory_space<hbm>>
    %dma_wait3A_1207 = arith.constant 0 : i32
    %dma_wait3A_1208 = tpu.memref_slice %arg6[%mul3A_1128, %dma_wait3A_1207] : memref<8192x32xf32, #tpu.memory_space<hbm>> -> memref<256x32xf32, #tpu.memory_space<hbm>>
    %dma_wait3A_1209 = arith.constant 0 : i32
    %dma_wait3A_1210 = arith.constant 0 : i32
    %dma_wait3A_1211 = tpu.memref_slice %arg13[%dma_wait3A_1200, %dma_wait3A_1209, %dma_wait3A_1210] : memref<5x256x32xf32, #tpu.memory_space<vmem>> -> memref<1x256x32xf32, #tpu.memory_space<vmem>>
    %dma_wait3A_1212 = tpu.memref_squeeze %dma_wait3A_1211 : memref<1x256x32xf32, #tpu.memory_space<vmem>> -> memref<256x32xf32, #tpu.memory_space<vmem>>
    tpu.wait_dma2 semaphore(%arg15 : memref<!tpu.dma_semaphore, #tpu.memory_space<semaphore_mem>>) src(%dma_wait3A_1212 : memref<256x32xf32, #tpu.memory_space<vmem>>) dst(%dma_wait3A_1208 : memref<256x32xf32, #tpu.memory_space<hbm>>)
    %dma_wait3A_1213 = arith.constant 2 : i32
    %dma_wait3A_1214 = arith.constant 0 : i32
    %dma_wait3A_1215 = arith.constant 0 : i32
    %dma_wait3A_1216 = tpu.memref_slice %arg13[%dma_wait3A_1213, %dma_wait3A_1214, %dma_wait3A_1215] : memref<5x256x32xf32, #tpu.memory_space<vmem>> -> memref<1x256x32xf32, #tpu.memory_space<vmem>>
    %dma_wait3A_1217 = tpu.memref_squeeze %dma_wait3A_1216 : memref<1x256x32xf32, #tpu.memory_space<vmem>> -> memref<256x32xf32, #tpu.memory_space<vmem>>
    %dma_wait3A_1218 = arith.constant 0 : i32
    %dma_wait3A_1219 = tpu.memref_slice %arg7[%mul3A_1143, %dma_wait3A_1218] : memref<8192x32xf32, #tpu.memory_space<hbm>> -> memref<256x32xf32, #tpu.memory_space<hbm>>
    %dma_wait3A_1220 = arith.constant 0 : i32
    %dma_wait3A_1221 = tpu.memref_slice %arg7[%mul3A_1143, %dma_wait3A_1220] : memref<8192x32xf32, #tpu.memory_space<hbm>> -> memref<256x32xf32, #tpu.memory_space<hbm>>
    %dma_wait3A_1222 = arith.constant 0 : i32
    %dma_wait3A_1223 = arith.constant 0 : i32
    %dma_wait3A_1224 = tpu.memref_slice %arg13[%dma_wait3A_1213, %dma_wait3A_1222, %dma_wait3A_1223] : memref<5x256x32xf32, #tpu.memory_space<vmem>> -> memref<1x256x32xf32, #tpu.memory_space<vmem>>
    %dma_wait3A_1225 = tpu.memref_squeeze %dma_wait3A_1224 : memref<1x256x32xf32, #tpu.memory_space<vmem>> -> memref<256x32xf32, #tpu.memory_space<vmem>>
    tpu.wait_dma2 semaphore(%arg15 : memref<!tpu.dma_semaphore, #tpu.memory_space<semaphore_mem>>) src(%dma_wait3A_1225 : memref<256x32xf32, #tpu.memory_space<vmem>>) dst(%dma_wait3A_1221 : memref<256x32xf32, #tpu.memory_space<hbm>>)
    %dma_wait3A_1226 = arith.constant 3 : i32
    %dma_wait3A_1227 = arith.constant 0 : i32
    %dma_wait3A_1228 = arith.constant 0 : i32
    %dma_wait3A_1229 = tpu.memref_slice %arg13[%dma_wait3A_1226, %dma_wait3A_1227, %dma_wait3A_1228] : memref<5x256x32xf32, #tpu.memory_space<vmem>> -> memref<1x256x32xf32, #tpu.memory_space<vmem>>
    %dma_wait3A_1230 = tpu.memref_squeeze %dma_wait3A_1229 : memref<1x256x32xf32, #tpu.memory_space<vmem>> -> memref<256x32xf32, #tpu.memory_space<vmem>>
    %dma_wait3A_1231 = arith.constant 0 : i32
    %dma_wait3A_1232 = tpu.memref_slice %arg8[%mul3A_1158, %dma_wait3A_1231] : memref<8192x32xf32, #tpu.memory_space<hbm>> -> memref<256x32xf32, #tpu.memory_space<hbm>>
    %dma_wait3A_1233 = arith.constant 0 : i32
    %dma_wait3A_1234 = tpu.memref_slice %arg8[%mul3A_1158, %dma_wait3A_1233] : memref<8192x32xf32, #tpu.memory_space<hbm>> -> memref<256x32xf32, #tpu.memory_space<hbm>>
    %dma_wait3A_1235 = arith.constant 0 : i32
    %dma_wait3A_1236 = arith.constant 0 : i32
    %dma_wait3A_1237 = tpu.memref_slice %arg13[%dma_wait3A_1226, %dma_wait3A_1235, %dma_wait3A_1236] : memref<5x256x32xf32, #tpu.memory_space<vmem>> -> memref<1x256x32xf32, #tpu.memory_space<vmem>>
    %dma_wait3A_1238 = tpu.memref_squeeze %dma_wait3A_1237 : memref<1x256x32xf32, #tpu.memory_space<vmem>> -> memref<256x32xf32, #tpu.memory_space<vmem>>
    tpu.wait_dma2 semaphore(%arg15 : memref<!tpu.dma_semaphore, #tpu.memory_space<semaphore_mem>>) src(%dma_wait3A_1238 : memref<256x32xf32, #tpu.memory_space<vmem>>) dst(%dma_wait3A_1234 : memref<256x32xf32, #tpu.memory_space<hbm>>)
    %dma_wait3A_1239 = arith.constant 4 : i32
    %dma_wait3A_1240 = arith.constant 0 : i32
    %dma_wait3A_1241 = arith.constant 0 : i32
    %dma_wait3A_1242 = tpu.memref_slice %arg13[%dma_wait3A_1239, %dma_wait3A_1240, %dma_wait3A_1241] : memref<5x256x32xf32, #tpu.memory_space<vmem>> -> memref<1x256x32xf32, #tpu.memory_space<vmem>>
    %dma_wait3A_1243 = tpu.memref_squeeze %dma_wait3A_1242 : memref<1x256x32xf32, #tpu.memory_space<vmem>> -> memref<256x32xf32, #tpu.memory_space<vmem>>
    %dma_wait3A_1244 = arith.constant 0 : i32
    %dma_wait3A_1245 = tpu.memref_slice %arg9[%mul3A_1173, %dma_wait3A_1244] : memref<8192x32xf32, #tpu.memory_space<hbm>> -> memref<256x32xf32, #tpu.memory_space<hbm>>
    %dma_wait3A_1246 = arith.constant 0 : i32
    %dma_wait3A_1247 = tpu.memref_slice %arg9[%mul3A_1173, %dma_wait3A_1246] : memref<8192x32xf32, #tpu.memory_space<hbm>> -> memref<256x32xf32, #tpu.memory_space<hbm>>
    %dma_wait3A_1248 = arith.constant 0 : i32
    %dma_wait3A_1249 = arith.constant 0 : i32
    %dma_wait3A_1250 = tpu.memref_slice %arg13[%dma_wait3A_1239, %dma_wait3A_1248, %dma_wait3A_1249] : memref<5x256x32xf32, #tpu.memory_space<vmem>> -> memref<1x256x32xf32, #tpu.memory_space<vmem>>
    %dma_wait3A_1251 = tpu.memref_squeeze %dma_wait3A_1250 : memref<1x256x32xf32, #tpu.memory_space<vmem>> -> memref<256x32xf32, #tpu.memory_space<vmem>>
    tpu.wait_dma2 semaphore(%arg15 : memref<!tpu.dma_semaphore, #tpu.memory_space<semaphore_mem>>) src(%dma_wait3A_1251 : memref<256x32xf32, #tpu.memory_space<vmem>>) dst(%dma_wait3A_1247 : memref<256x32xf32, #tpu.memory_space<hbm>>)
    return
  }
}

</mosaic_0001>

<sc_bundles>
// kernel: _gather5.3.cloned.1.call-start
scs
__scs_entry_jumppad:
0x0: {  	(pc) =	sbr.rel $0x88, $3  }
0x1: {  	(tag) =	ssettag $0x0;
	lr =	simm.s32 $0x1  }
0x2: {  	[smem:$0x3F9E] =	sst lr;
	_ =	strace $0xD0000000  }
0x3: {  	_ = 	snop  }
0x4: {  	_ = 	snop  }
0x5: {  	_ = 	snop  }
0x6: {  	_ = 	snop  }
0x7: {  	_ = 	snop  }
__scs_overlays_trampoline_lowered:
0x8: {  	[smem:$0x3FAD] =	sst s0  }
0x9: {  	[smem:$0x3FAE] =	sst s1  }
0xa: {  	[smem:$0x3FAF] =	sst s2  }
0xb: {  	[smem:$0x3FB0] =	sst s3  }
0xc: {  	[smem:$0x3FB1] =	sst s4  }
0xd: {  	[smem:$0x3FB2] =	sst s5  }
0xe: {  	[smem:$0x3FB3] =	sst s6  }
0xf: {  	[smem:$0x3FB4] =	sst s7  }
0x10: {  	[smem:$0x3FB5] =	sst s8  }
0x11: {  	[smem:$0x3FB6] =	sst s9;
	s0 =	simm.s32 @!p0 $0x0  }
0x12: {  	s1 =	sld [smem:$0x3F9C];
	s0 =	simm.s32 @p0 $0x1  }
0x13: {  	[smem:$0x3FB7] =	sst s0;
	s0 =	simm.s32 @!p1 $0x0  }
0x14: {  	s2 =	sld [smem:$0x3F9B];
	s0 =	simm.s32 @p1 $0x1  }
0x15: {  	[smem:$0x3FB8] =	sst s0;
	s0 =	simm.s32 @!p2 $0x0  }
0x16: {  	s3 =	sld [smem:$0x3FDB];
	s0 =	simm.s32 @p2 $0x1  }
0x17: {  	s4 =	simm.s32 $0x1BF5;
	[smem:$0x3FBA] =	sst s0  }
0x18: {  	s0 =	sld [smem:$0x3F9D];
	_ =	swait.ge [sflag:s4], $0x0  }
0x19: {  	s7 =	sld [smem:$0x3F9E]  }
0x1a: {  	s8 =	sadd.s32 $0xFFFFE003, lr  }
0x1b: {  	s9 =	sadd.s32 $0xFFFFFEF7, lr;
	s5 =	simm.s32 $0xFFFFFFFF;
	p2 =	slt.u32 s8, $0xFFFFF086  }
0x1c: {  	p1 =	slt.u32 s9, $0xF7A;
	s5 =	simm.s32 @!p2 $0x0  }
0x1d: {  	s5 =	simm.s32 @p1 $0x1;
	p0 =	seq.s32 s7, s2  }
0x1e: {  	s7 =	smul.u32 @!p0 $0xF7A, s2;
	p2 =	seq.s32 @!p0 s5, $0x0  }
0x1f: {  	s9 =	smul.u32 $0xF7A, s1;
	s8 =	simm.s32 @!p0 $0x1BF5;
	p2 =	por !p2, p0  }
0x20: {  	[sflag:s8] =	ssyncset.s32 @!p0 $0xFFFFF086;
	s6 =	sadd.s32 @!p0 s3, s7;
	s7 =	simm.s32 @!p0 $0x108  }
0x21: {  	s3 =	sadd.s32 s3, s9;
	s6 =	sadd.s32 @!p0 $0x88, s6;
	s7 =	simm.s32 @p2 $0x1082  }
0x22: {  	[simem:s7], [sflag:s8] =	dma.local @!p0 [hbm:s6], $0xF7A  }
0x23: {  	s9 =	sor.u32 $0xD0000000, s2;
	s6 =	simm.s32 $0x108;
	_ =	swait.ge @!p0 [sflag:s8], $0x0  }
0x24: {  	s3 =	sadd.s32 $0x88, s3;
	s6 =	simm.s32 @!p1 $0x1082;
	[sflag:s4] =	ssyncset.s32 $0xFFFFF086  }
0x25: {  	[simem:s6], [sflag:s4] =	dma.local [hbm:s3], $0xF7A  }
0x26: {  	[smem:$0x3F9E] =	sst s1;
	(tag) =	ssettag s2;
	_ =	strace s9  }
0x27: {  	s1 =	sld [smem:$0x3FAE]  }
0x28: {  	s2 =	sld [smem:$0x3FAF]  }
0x29: {  	s4 =	sld [smem:$0x3FB1]  }
0x2a: {  	p0 =	seq.s32 s5, $0x0;
	s5 =	sld [smem:$0x3FB2]  }
0x2b: {  	s6 =	sld [smem:$0x3FB3]  }
0x2c: {  	s7 =	sld [smem:$0x3FB4]  }
0x2d: {  	s3 =	simm.s32 $0x108;
	s8 =	sld [smem:$0x3FB5]  }
0x2e: {  	s3 =	simm.s32 @!p0 $0x1082;
	s9 =	sld [smem:$0x3FB6]  }
0x2f: {  	lr =	sadd.s32 s0, s3;
	s0 =	sld [smem:$0x3FAD]  }
0x30: {  	s3 =	sld [smem:$0x3FB0]  }
0x31: {  	[smem:$0x3FB9] =	sst s10  }
0x32: {  	s10 =	sld [smem:$0x3FB7];
	_ =	sdelay $0x3  }
0x33: {  	p0 =	seq.s32 s10, $0x1;
	s10 =	sld [smem:$0x3FB9];
	_ =	sdelay $0x3  }
0x34: {  	[smem:$0x3FB9] =	sst s10  }
0x35: {  	s10 =	sld [smem:$0x3FB8];
	_ =	sdelay $0x3  }
0x36: {  	p1 =	seq.s32 s10, $0x1;
	s10 =	sld [smem:$0x3FB9];
	_ =	sdelay $0x3  }
0x37: {  	[smem:$0x3FB9] =	sst s10  }
0x38: {  	s10 =	sld [smem:$0x3FBA]  }
0x39: {  	_ = 	snop;
	(pc) =	sbr.ind lr, $3  }
0x3a: {  	_ = 	snop  }
0x3b: {  	_ = 	snop  }
0x3c: {  	p2 =	seq.s32 s10, $0x1;
	s10 =	sld [smem:$0x3FB9]  }
0x3d: {  	_ =	shalt  }
0x3e: {  	_ =	shalt  }
0x3f: {  	_ =	shalt  }
0x40: {  	_ =	shalt  }
0x41: {  	_ =	shalt  }
0x42: {  	_ =	shalt  }
0x43: {  	_ =	shalt  }
0x44: {  	_ =	shalt  }
0x45: {  	_ =	shalt  }
0x46: {  	_ =	shalt  }
0x47: {  	_ =	shalt  }
0x48: {  	_ =	shalt  }
0x49: {  	_ =	shalt  }
0x4a: {  	_ =	shalt  }
0x4b: {  	_ =	shalt  }
0x4c: {  	_ =	shalt  }
0x4d: {  	_ =	shalt  }
0x4e: {  	_ =	shalt  }
0x4f: {  	_ =	shalt  }
0x50: {  	_ =	shalt  }
0x51: {  	_ =	shalt  }
0x52: {  	_ =	shalt  }
0x53: {  	_ =	shalt  }
0x54: {  	_ =	shalt  }
0x55: {  	_ =	shalt  }
0x56: {  	_ =	shalt  }
0x57: {  	_ =	shalt  }
0x58: {  	_ =	shalt  }
0x59: {  	_ =	shalt  }
0x5a: {  	_ =	shalt  }
0x5b: {  	_ =	shalt  }
0x5c: {  	_ =	shalt  }
0x5d: {  	_ =	shalt  }
0x5e: {  	_ =	shalt  }
0x5f: {  	_ =	shalt  }
0x60: {  	_ =	shalt  }
0x61: {  	_ =	shalt  }
0x62: {  	_ =	shalt  }
0x63: {  	_ =	shalt  }
0x64: {  	_ =	shalt  }
0x65: {  	_ =	shalt  }
0x66: {  	_ =	shalt  }
0x67: {  	_ =	shalt  }
0x68: {  	_ =	shalt  }
0x69: {  	_ =	shalt  }
0x6a: {  	_ =	shalt  }
0x6b: {  	_ =	shalt  }
0x6c: {  	_ =	shalt  }
0x6d: {  	_ =	shalt  }
0x6e: {  	_ =	shalt  }
0x6f: {  	_ =	shalt  }
0x70: {  	_ =	shalt  }
0x71: {  	_ =	shalt  }
0x72: {  	_ =	shalt  }
0x73: {  	_ =	shalt  }
0x74: {  	_ =	shalt  }
0x75: {  	_ =	shalt  }
0x76: {  	_ =	shalt  }
0x77: {  	_ =	shalt  }
0x78: {  	_ =	shalt  }
0x79: {  	_ =	shalt  }
0x7a: {  	_ =	shalt  }
0x7b: {  	_ =	shalt  }
0x7c: {  	_ =	shalt  }
0x7d: {  	_ =	shalt  }
0x7e: {  	_ =	shalt  }
0x7f: {  	_ =	shalt  }
0x80: {  	_ =	shalt  }
0x81: {  	_ =	shalt  }
0x82: {  	_ =	shalt  }
0x83: {  	_ =	shalt  }
0x84: {  	_ =	shalt  }
0x85: {  	_ =	shalt  }
0x86: {  	_ =	shalt  }
0x87: {  	_ =	shalt  }
.Lfunc_end0:
.L_simem_size_0:
called_computation_lowered:
.L_overlay_start_0:
0x88: {  	s2 =	sld [smem:$0x3FD9]  }
0x89: {  	s3 =	sld [smem:$0x3FFE];
	_ =	sdelay $0x1  }
0x8a: {  	s1 =	srdreg.scid  }
0x8b: {  	s0 =	sand.u32 $0x1, s1  }
0x8c: {  	s14 =	sshll.u32 s0, $0xA;
	s2 =	sadd.s32 s3, s2  }
0x8d: {  	s2 =	sadd.s32 s2, s14  }
0x8e: {  	[smem:$0x3FC5] =	sst s2  }
0x8f: {  	_ = 	snop  }
0x90: {  	s2 =	sld [smem:$0x3FD0];
	_ =	sdelay $0x2  }
0x91: {  	s4 =	simm.s32 $0xA;
	s5 =	simm.s32 $0x10;
	s15 =	sld [smem:$0x3FC9]  }
0x92: {  	[smem:s5], [sflag:s4] =	dma.local [hbm:s2], $0x1  }
0x93: {  	_ =	swait.eq [sflag:s4], $0x1  }
0x94: {  	s16 =	sld [smem:$0x12];
	[sflag:s4] =	ssyncset.done $0x0  }
0x95: {  	s17 =	sld [smem:$0x13];
	[sflag:s4] =	ssyncadd.s32 $0xFFFFFFFF  }
0x96: {  	s18 =	sld [smem:$0x14];
	(tm) =	ssettm $0x1  }
0x97: {  	s6 =	sld [smem:$0x3FFB];
	_ =	sdelay $0x3  }
0x98: {  	_ =	strace s6  }
0x99: {  	s6 =	sld [smem:$0x3FFC];
	_ =	sdelay $0x3  }
0x9a: {  	_ =	strace s6  }
0x9b: {  	s6 =	sld [smem:$0x3FFD];
	_ =	sdelay $0x3  }
0x9c: {  	_ =	strace s6  }
0x9d: {  	_ =	strace $0x8FFFFFFF  }
0x9e: {  	s19 =	sld [smem:$0x3FDB];
	_ =	sdelay $0x1  }
0x9f: {  	s7 =	simm.s32 $_scs_section_size  }
0xa0: {  	s8 =	simm.s32 $_size__tile_overlayer_lowered;
	s9 =	simm.s32 $_tile_overlayer_lowered  }
0xa1: {  	s22 =	simm.s32 $0x1BFF;
	s21 =	sshll.u32 s9, $0x1;
	s6 =	sadd.s32 s7, s19  }
0xa2: {  	s10 =	simm.s32 $0x0;
	s20 =	sshll.u32 s8, $0x1;
	s8 =	sadd.s32 s21, s6  }
0xa3: {  	[timem:s10], [sflag:s22] =	dma.local [hbm:s8], s20  }
0xa4: {  	_ =	swait.ge [sflag:s22], s20  }
0xa5: {  	s7 =	ssub.s32 $0x0, s20;
	[sflag:s22] =	ssyncset.done $0x0  }
0xa6: {  	[sflag:s22] =	ssyncadd.s32 s7;
	_ =	sdelay $0x1  }
0xa7: {  	s23 =	simm.s32 $0x1B8B  }
0xa8: {  	_ =	swait.ge [sflag:s23], $0x1  }
0xa9: {  	[sflag:s23] =	ssyncset.done $0x0  }
0xaa: {  	s25 =	simm.s32 $0x1B8E;
	s24 =	sld [smem:$0x3FFE];
	[sflag:s23] =	ssyncadd.s32 $0xFFFFFFFF  }
0xab: {  	s26 =	simm.s32 $execute0_lowered;
	[smem:$0x3FD2] =	sst s25  }
0xac: {  	s8 =	sshll.u32 s26, $0x1;
	_ =	strace $0x80000046;
	[dreg:$0x1] =	wrdreg $0xFFFFFFFF  }
0xad: {  	s28 =	simm.s32 $_size_execute0_lowered;
	s6 =	sadd.s32 s6, s8;
	[dreg:$0x0] =	wrdreg $0x0  }
0xae: {  	s8 =	sshll.u32 s28, $0x1;
	[dreg:$0x2] =	wrdreg s6  }
0xaf: {  	[dreg:$0x3] =	wrdreg s8  }
0xb0: {  	[dreg:$0x4] =	wrdreg $0xC0  }
0xb1: {  	_ =	task [dreg:s10], $0x5FFFF  }
0xb2: {  	[dreg:$0x1] =	wrdreg $0xFFFFFFFF  }
0xb3: {  	[dreg:$0x0] =	wrdreg $0x60  }
0xb4: {  	[dreg:$0x2] =	wrdreg s15  }
0xb5: {  	[dreg:$0x3] =	wrdreg s24  }
0xb6: {  	[dreg:$0x4] =	wrdreg s18  }
0xb7: {  	[dreg:$0x5] =	wrdreg s17  }
0xb8: {  	[dreg:$0x6] =	wrdreg s16  }
0xb9: {  	[dreg:$0x7] =	wrdreg $0x9  }
0xba: {  	_ =	task.clear_ibuf [dreg:s10], $0x8FFFF;
	_ =	strace $0x90000046  }
0xbb: {  	s29 =	simm.s32 $0x9;
	_ =	strace $0x80000048  }
0xbc: {  	_ =	swait.ge [sflag:s29], $0x1  }
0xbd: {  	[sflag:s29] =	ssyncadd.s32 $0xFFFFFFFF  }
0xbe: {  	_ =	strace $0x90000048  }
0xbf: {  	_ =	sfence  }
0xc0: {  	s30 =	sld [smem:$0x0];
	_ =	sdelay $0x2  }
0xc1: {  	s31 =	sshll.u32 s1, $0xD;
	s1 =	sshrl.u32 s1, $0x2  }
0xc2: {  	s3 =	sand.u32 $0x4000, s31;
	s1 =	sadd.s32 s1, s30  }
0xc3: {  	s0 =	sor.u32 s3, s0;
	s1 =	sshll.u32 s1, $0x11  }
0xc4: {  	s0 =	sor.u32 s1, s0  }
0xc5: {  	s0 =	sadd.s32 $0x8F2B, s0  }
0xc6: {  	[sflag:s0] =	ssyncadd.remote.s32 $0x1  }
0xc7: {  	_ =	sfence.sel $0xFFFF  }
0xc8: {  	[dreg:$0x0] =	wrdreg $0xFFFFFFFF;
	(pc) =	sbr.abs _section_cstart, $3  }
0xc9: {  	[dreg:$0x1] =	wrdreg $0xFFFFFFFF  }
0xca: {  	_ =	task.clear_ibuf [dreg:s10], $0x2FFFF;
	_ =	strace $0x9FFFFFFF  }
0xcb: {  	(tm) =	ssettm $0x7FFFFFFF  }
tec
execute0_lowered:
.L_overlay_start_1:
0x0: {  	(tag) =	ssettag $0x1  }
0x1: {  	s1 =	rddreg [dreg:$0x0]  }
0x2: {  	s6 =	rddreg [dreg:$0x1]  }
0x3: {  	s2 =	srdreg.scid;
	s7 =	rddreg [dreg:$0x2]  }
0x4: {  	s0 =	stileid.u32;
	s9 =	rddreg [dreg:$0x3];
	v0 =	vlaneseq.u32  }
0x5: {  	s10 =	rddreg [dreg:$0x4];
	s12 =	simm.s32 $0x680;
	s13 =	simm.s32 $0x1B00;
	v0 =	vmul.u32 $0x3, v0  }
0x6: {  	s14 =	simm.s32 $0x700;
	s15 =	simm.s32 $0x2B00;
	s16 =	simm.s32 $0x780  }
0x7: {  	s17 =	simm.s32 $0x3B00;
	s18 =	simm.s32 $0x800;
	s19 =	simm.s32 $0x4B00;
	v1 =	vadd.s32 $0x1, v0;
	v2 =	vadd.s32 $0x2, v0  }
0x8: {  	s20 =	simm.s32 $0x880;
	s28 =	simm.s32 $0x8B00;
	s29 =	simm.s32 $0xA80;
	v3 =	vadd.s32 $0x30, v0;
	v4 =	vadd.s32 $0x31, v0;
	v5 =	vadd.s32 $0x32, v0  }
0x9: {  	s30 =	simm.s32 $0x9B00;
	s8 =	sand.u32 $0x1, s2;
	s21 =	sshll.u32 s0, $0x1;
	v6 =	vadd.s32 $0x60, v0;
	v7 =	vadd.s32 $0x61, v0;
	v8 =	vadd.s32 $0x62, v0  }
0xa: {  	s31 =	simm.s32 $0x1;
	s2 =	simm.s32 $0x0;
	s5 =	sor.u32 s8, s21;
	v9 =	vadd.s32 $0x90, v0;
	v10 =	vadd.s32 $0x91, v0;
	v11 =	vadd.s32 $0x92, v0  }
0xb: {  	[smem:$0x7FF] =	sst s2;
	s21 =	simm.s32 $0x5B00;
	s3 =	smul.u32 $0x300, s5;
	v12 =	vor.u32 $0xC0, v0;
	v13 =	vadd.s32 $0xC1, v0;
	v14 =	vadd.s32 $0xC2, v0  }
0xc: {  	s8 =	ssub.s32 $0x2, s8;
	_ =	strace $0x80000047;
	s22 =	sshll.u32 s5, $0xA;
	v15 =	vadd.s32 $0xF0, v0;
	v16 =	vadd.s32 $0xF1, v0;
	v17 =	vadd.s32 $0xF2, v0  }
0xd: {  	s5 =	sadd.s32 $0x1313600, s6;
	s24 =	sshrl.u32 s8, $0x1;
	v18 =	vadd.s32 $0x120, v0;
	v19 =	vadd.s32 $0x121, v0;
	v20 =	vadd.s32 $0x122, v0;
	s7 =	sadd.s32 s7, s22  }
0xe: {  	v21 =	vadd.s32 $0x150, v0;
	v22 =	vadd.s32 $0x151, v0;
	v23 =	vadd.s32 $0x152, v0;
	s23 =	sadd.s32 s9, s22;
	s9 =	simm.s32 $0x80;
	s4 =	sshrl.u32 s3, $0x3  }
0xf: {  	v24 =	vor.u32 $0x180, v0;
	v25 =	vadd.s32 $0x181, v0;
	v26 =	vadd.s32 $0x182, v0;
	s3 =	sadd.s32 $0xF42C00, s6;
	s6 =	sadd.s32 s22, s6;
	[dreg:$0x7] =	wrdreg s7  }
0x10: {  	v27 =	vadd.s32 $0x1B0, v0;
	v28 =	vadd.s32 $0x1B1, v0;
	v29 =	vadd.s32 $0x1B2, v0;
	[dreg:$0x8] =	wrdreg s23;
	s7 =	ssub.s32 s8, s24;
	s8 =	simm.s32 $0x300  }
0x11: {  	v30 =	vadd.s32 $0x1E0, v0;
	v31 =	vadd.s32 $0x1E1, v0;
	v32 =	vadd.s32 $0x1E2, v0;
	s23 =	simm.s32 $0x6B00;
	s24 =	simm.s32 $0x980;
	s4 =	sadd.s32 s1, s4  }
0x12: {  	v33 =	vadd.s32 $0x210, v0;
	v34 =	vadd.s32 $0x211, v0;
	v35 =	vadd.s32 $0x212, v0;
	s1 =	sadd.s32 s10, s22;
	s25 =	sadd.s32 $0x800, s6;
	s26 =	sadd.s32 $0x8800, s6  }
0x13: {  	v36 =	vor.u32 $0x240, v0;
	v37 =	vadd.s32 $0x241, v0;
	v38 =	vadd.s32 $0x242, v0;
	s6 =	smax.u32 s7, $0x1;
	s7 =	simm.s32 $0x3;
	[dreg:$0x9] =	wrdreg s1  }
0x14: {  	v39 =	vadd.s32 $0x270, v0;
	v40 =	vadd.s32 $0x271, v0;
	v41 =	vadd.s32 $0x272, v0;
	s22 =	simm.s32 $0x900;
	s11 =	sadd.s32 $0xC00, s4;
	[dreg:$0xa] =	wrdreg s25  }
0x15: {  	v42 =	vadd.s32 $0x2A0, v0;
	v43 =	vadd.s32 $0x2A1, v0;
	v44 =	vadd.s32 $0x2A2, v0;
	[dreg:$0xb] =	wrdreg s26;
	s25 =	simm.s32 $0x7B00;
	s26 =	simm.s32 $0xA00  }
0x16: {  	v45 =	vadd.s32 $0x2D0, v0;
	v46 =	vadd.s32 $0x2D1, v0;
	v47 =	vadd.s32 $0x2D2, v0;
	s1 =	simm.s32 $0x2;
	[dreg:$0x6] =	wrdreg s11;
	s11 =	simm.s32 $0xB00  }
.LBB2_1:
0x17: {  	[tilespmem:s2], [sflag:$0x3] =	stream.linear.gather [hbm4b:s4+s2], $0x300, $0x38;
	[tilespmem:$0xAB00] =	vst v63  }
0x18: {  	_ =	swait.ge [sflag:s7], $0x300  }
0x19: {  	[sflag:s7] =	ssyncset.done $0x0  }
0x1a: {  	s0 =	rddreg [dreg:$0x6];
	[sflag:s7] =	ssyncadd.s32 $0xFFFFFD00  }
0x1b: {  	[tilespmem:s8], [sflag:$0x3] =	stream.linear.gather [hbm4b:s0+s2], $0x300, $0x38;
	[tilespmem:$0xAB00] =	vst v63  }
0x1c: {  	_ =	swait.ge [sflag:s7], $0x300  }
0x1d: {  	[sflag:s7] =	ssyncset.done $0x0  }
0x1e: {  	[sflag:s7] =	ssyncadd.s32 $0xFFFFFD00  }
0x1f: {  	v48 =	vld.idx.msk [tilespmem:v0+s2+$0x0], $0xffff;
	_ =	sdelay $0x4  }
0x20: {  	[tilespmem:$0x600] =	vst v48  }
0x21: {  	v48 =	vld.idx.msk [tilespmem:v1+s2+$0x0], $0xffff;
	_ =	sdelay $0x4  }
0x22: {  	[tilespmem:$0x700] =	vst v48  }
0x23: {  	v48 =	vld.idx.msk [tilespmem:v2+s2+$0x0], $0xffff;
	_ =	sdelay $0x4  }
0x24: {  	[tilespmem:$0x800] =	vst v48  }
0x25: {  	v48 =	vld.idx.msk [tilespmem:v0+s8+$0x0], $0xffff;
	_ =	sdelay $0x4  }
0x26: {  	[tilespmem:$0x900] =	vst v48  }
0x27: {  	v48 =	vld.idx.msk [tilespmem:v2+s8+$0x0], $0xffff;
	_ =	sdelay $0x4  }
0x28: {  	[tilespmem:$0xA00] =	vst v48  }
0x29: {  	v48 =	vld.idx.msk [tilespmem:v3+s2+$0x0], $0xffff;
	_ =	sdelay $0x4  }
0x2a: {  	[tilespmem:$0x610] =	vst v48  }
0x2b: {  	v48 =	vld.idx.msk [tilespmem:v4+s2+$0x0], $0xffff;
	_ =	sdelay $0x4  }
0x2c: {  	[tilespmem:$0x710] =	vst v48  }
0x2d: {  	v48 =	vld.idx.msk [tilespmem:v5+s2+$0x0], $0xffff;
	_ =	sdelay $0x4  }
0x2e: {  	[tilespmem:$0x810] =	vst v48  }
0x2f: {  	v48 =	vld.idx.msk [tilespmem:v3+s8+$0x0], $0xffff;
	_ =	sdelay $0x4  }
0x30: {  	[tilespmem:$0x910] =	vst v48  }
0x31: {  	v48 =	vld.idx.msk [tilespmem:v5+s8+$0x0], $0xffff;
	_ =	sdelay $0x4  }
0x32: {  	[tilespmem:$0xA10] =	vst v48  }
0x33: {  	v48 =	vld.idx.msk [tilespmem:v6+s2+$0x0], $0xffff;
	_ =	sdelay $0x4  }
0x34: {  	[tilespmem:$0x620] =	vst v48  }
0x35: {  	v48 =	vld.idx.msk [tilespmem:v7+s2+$0x0], $0xffff;
	_ =	sdelay $0x4  }
0x36: {  	[tilespmem:$0x720] =	vst v48  }
0x37: {  	v48 =	vld.idx.msk [tilespmem:v8+s2+$0x0], $0xffff;
	_ =	sdelay $0x4  }
0x38: {  	[tilespmem:$0x820] =	vst v48  }
0x39: {  	v48 =	vld.idx.msk [tilespmem:v6+s8+$0x0], $0xffff;
	_ =	sdelay $0x4  }
0x3a: {  	[tilespmem:$0x920] =	vst v48  }
0x3b: {  	v48 =	vld.idx.msk [tilespmem:v8+s8+$0x0], $0xffff;
	_ =	sdelay $0x4  }
0x3c: {  	[tilespmem:$0xA20] =	vst v48  }
0x3d: {  	v48 =	vld.idx.msk [tilespmem:v9+s2+$0x0], $0xffff;
	_ =	sdelay $0x4  }
0x3e: {  	[tilespmem:$0x630] =	vst v48  }
0x3f: {  	v48 =	vld.idx.msk [tilespmem:v10+s2+$0x0], $0xffff;
	_ =	sdelay $0x4  }
0x40: {  	[tilespmem:$0x730] =	vst v48  }
0x41: {  	v48 =	vld.idx.msk [tilespmem:v11+s2+$0x0], $0xffff;
	_ =	sdelay $0x4  }
0x42: {  	[tilespmem:$0x830] =	vst v48  }
0x43: {  	v48 =	vld.idx.msk [tilespmem:v9+s8+$0x0], $0xffff;
	_ =	sdelay $0x4  }
0x44: {  	[tilespmem:$0x930] =	vst v48  }
0x45: {  	v48 =	vld.idx.msk [tilespmem:v11+s8+$0x0], $0xffff;
	_ =	sdelay $0x4  }
0x46: {  	[tilespmem:$0xA30] =	vst v48  }
0x47: {  	v48 =	vld.idx.msk [tilespmem:v12+s2+$0x0], $0xffff;
	_ =	sdelay $0x4  }
0x48: {  	[tilespmem:$0x640] =	vst v48  }
0x49: {  	v48 =	vld.idx.msk [tilespmem:v13+s2+$0x0], $0xffff;
	_ =	sdelay $0x4  }
0x4a: {  	[tilespmem:$0x740] =	vst v48  }
0x4b: {  	v48 =	vld.idx.msk [tilespmem:v14+s2+$0x0], $0xffff;
	_ =	sdelay $0x4  }
0x4c: {  	[tilespmem:$0x840] =	vst v48  }
0x4d: {  	v48 =	vld.idx.msk [tilespmem:v12+s8+$0x0], $0xffff;
	_ =	sdelay $0x4  }
0x4e: {  	[tilespmem:$0x940] =	vst v48  }
0x4f: {  	v48 =	vld.idx.msk [tilespmem:v14+s8+$0x0], $0xffff;
	_ =	sdelay $0x4  }
0x50: {  	[tilespmem:$0xA40] =	vst v48  }
0x51: {  	v48 =	vld.idx.msk [tilespmem:v15+s2+$0x0], $0xffff;
	_ =	sdelay $0x4  }
0x52: {  	[tilespmem:$0x650] =	vst v48  }
0x53: {  	v48 =	vld.idx.msk [tilespmem:v16+s2+$0x0], $0xffff;
	_ =	sdelay $0x4  }
0x54: {  	[tilespmem:$0x750] =	vst v48  }
0x55: {  	v48 =	vld.idx.msk [tilespmem:v17+s2+$0x0], $0xffff;
	_ =	sdelay $0x4  }
0x56: {  	[tilespmem:$0x850] =	vst v48  }
0x57: {  	v48 =	vld.idx.msk [tilespmem:v15+s8+$0x0], $0xffff;
	_ =	sdelay $0x4  }
0x58: {  	[tilespmem:$0x950] =	vst v48  }
0x59: {  	v48 =	vld.idx.msk [tilespmem:v17+s8+$0x0], $0xffff;
	_ =	sdelay $0x4  }
0x5a: {  	[tilespmem:$0xA50] =	vst v48  }
0x5b: {  	v48 =	vld.idx.msk [tilespmem:v18+s2+$0x0], $0xffff;
	_ =	sdelay $0x4  }
0x5c: {  	[tilespmem:$0x660] =	vst v48  }
0x5d: {  	v48 =	vld.idx.msk [tilespmem:v19+s2+$0x0], $0xffff;
	_ =	sdelay $0x4  }
0x5e: {  	[tilespmem:$0x760] =	vst v48  }
0x5f: {  	v48 =	vld.idx.msk [tilespmem:v20+s2+$0x0], $0xffff;
	_ =	sdelay $0x4  }
0x60: {  	[tilespmem:$0x860] =	vst v48  }
0x61: {  	v48 =	vld.idx.msk [tilespmem:v18+s8+$0x0], $0xffff;
	_ =	sdelay $0x4  }
0x62: {  	[tilespmem:$0x960] =	vst v48  }
0x63: {  	v48 =	vld.idx.msk [tilespmem:v20+s8+$0x0], $0xffff;
	_ =	sdelay $0x4  }
0x64: {  	[tilespmem:$0xA60] =	vst v48  }
0x65: {  	v48 =	vld.idx.msk [tilespmem:v21+s2+$0x0], $0xffff;
	_ =	sdelay $0x4  }
0x66: {  	[tilespmem:$0x670] =	vst v48  }
0x67: {  	v48 =	vld.idx.msk [tilespmem:v22+s2+$0x0], $0xffff;
	_ =	sdelay $0x4  }
0x68: {  	[tilespmem:$0x770] =	vst v48  }
0x69: {  	v48 =	vld.idx.msk [tilespmem:v23+s2+$0x0], $0xffff;
	_ =	sdelay $0x4  }
0x6a: {  	[tilespmem:$0x870] =	vst v48  }
0x6b: {  	v48 =	vld.idx.msk [tilespmem:v21+s8+$0x0], $0xffff;
	_ =	sdelay $0x4  }
0x6c: {  	[tilespmem:$0x970] =	vst v48  }
0x6d: {  	v48 =	vld.idx.msk [tilespmem:v23+s8+$0x0], $0xffff;
	_ =	sdelay $0x4  }
0x6e: {  	[tilespmem:$0xA70] =	vst v48  }
0x6f: {  	v48 =	vld.idx.msk [tilespmem:v24+s2+$0x0], $0xffff;
	_ =	sdelay $0x4  }
0x70: {  	[tilespmem:$0x680] =	vst v48  }
0x71: {  	v48 =	vld.idx.msk [tilespmem:v25+s2+$0x0], $0xffff;
	_ =	sdelay $0x4  }
0x72: {  	[tilespmem:$0x780] =	vst v48  }
0x73: {  	v48 =	vld.idx.msk [tilespmem:v26+s2+$0x0], $0xffff;
	_ =	sdelay $0x4  }
0x74: {  	[tilespmem:$0x880] =	vst v48  }
0x75: {  	v48 =	vld.idx.msk [tilespmem:v24+s8+$0x0], $0xffff;
	_ =	sdelay $0x4  }
0x76: {  	[tilespmem:$0x980] =	vst v48  }
0x77: {  	v48 =	vld.idx.msk [tilespmem:v26+s8+$0x0], $0xffff;
	_ =	sdelay $0x4  }
0x78: {  	[tilespmem:$0xA80] =	vst v48  }
0x79: {  	v48 =	vld.idx.msk [tilespmem:v27+s2+$0x0], $0xffff;
	_ =	sdelay $0x4  }
0x7a: {  	[tilespmem:$0x690] =	vst v48  }
0x7b: {  	v48 =	vld.idx.msk [tilespmem:v28+s2+$0x0], $0xffff;
	_ =	sdelay $0x4  }
0x7c: {  	[tilespmem:$0x790] =	vst v48  }
0x7d: {  	v48 =	vld.idx.msk [tilespmem:v29+s2+$0x0], $0xffff;
	_ =	sdelay $0x4  }
0x7e: {  	[tilespmem:$0x890] =	vst v48  }
0x7f: {  	v48 =	vld.idx.msk [tilespmem:v27+s8+$0x0], $0xffff;
	_ =	sdelay $0x4  }
0x80: {  	[tilespmem:$0x990] =	vst v48  }
0x81: {  	v48 =	vld.idx.msk [tilespmem:v29+s8+$0x0], $0xffff;
	_ =	sdelay $0x4  }
0x82: {  	[tilespmem:$0xA90] =	vst v48  }
0x83: {  	v48 =	vld.idx.msk [tilespmem:v30+s2+$0x0], $0xffff;
	_ =	sdelay $0x4  }
0x84: {  	[tilespmem:$0x6A0] =	vst v48  }
0x85: {  	v48 =	vld.idx.msk [tilespmem:v31+s2+$0x0], $0xffff;
	_ =	sdelay $0x4  }
0x86: {  	[tilespmem:$0x7A0] =	vst v48  }
0x87: {  	v48 =	vld.idx.msk [tilespmem:v32+s2+$0x0], $0xffff;
	_ =	sdelay $0x4  }
0x88: {  	[tilespmem:$0x8A0] =	vst v48  }
0x89: {  	v48 =	vld.idx.msk [tilespmem:v30+s8+$0x0], $0xffff;
	_ =	sdelay $0x4  }
0x8a: {  	[tilespmem:$0x9A0] =	vst v48  }
0x8b: {  	v48 =	vld.idx.msk [tilespmem:v32+s8+$0x0], $0xffff;
	_ =	sdelay $0x4  }
0x8c: {  	[tilespmem:$0xAA0] =	vst v48  }
0x8d: {  	v48 =	vld.idx.msk [tilespmem:v33+s2+$0x0], $0xffff;
	_ =	sdelay $0x4  }
0x8e: {  	[tilespmem:$0x6B0] =	vst v48  }
0x8f: {  	v48 =	vld.idx.msk [tilespmem:v34+s2+$0x0], $0xffff;
	_ =	sdelay $0x4  }
0x90: {  	[tilespmem:$0x7B0] =	vst v48  }
0x91: {  	v48 =	vld.idx.msk [tilespmem:v35+s2+$0x0], $0xffff;
	_ =	sdelay $0x4  }
0x92: {  	[tilespmem:$0x8B0] =	vst v48  }
0x93: {  	v48 =	vld.idx.msk [tilespmem:v33+s8+$0x0], $0xffff;
	_ =	sdelay $0x4  }
0x94: {  	[tilespmem:$0x9B0] =	vst v48  }
0x95: {  	v48 =	vld.idx.msk [tilespmem:v35+s8+$0x0], $0xffff;
	_ =	sdelay $0x4  }
0x96: {  	[tilespmem:$0xAB0] =	vst v48  }
0x97: {  	v48 =	vld.idx.msk [tilespmem:v36+s2+$0x0], $0xffff;
	_ =	sdelay $0x4  }
0x98: {  	[tilespmem:$0x6C0] =	vst v48  }
0x99: {  	v48 =	vld.idx.msk [tilespmem:v37+s2+$0x0], $0xffff;
	_ =	sdelay $0x4  }
0x9a: {  	[tilespmem:$0x7C0] =	vst v48  }
0x9b: {  	v48 =	vld.idx.msk [tilespmem:v38+s2+$0x0], $0xffff;
	_ =	sdelay $0x4  }
0x9c: {  	[tilespmem:$0x8C0] =	vst v48  }
0x9d: {  	v48 =	vld.idx.msk [tilespmem:v36+s8+$0x0], $0xffff;
	_ =	sdelay $0x4  }
0x9e: {  	[tilespmem:$0x9C0] =	vst v48  }
0x9f: {  	v48 =	vld.idx.msk [tilespmem:v38+s8+$0x0], $0xffff;
	_ =	sdelay $0x4  }
0xa0: {  	[tilespmem:$0xAC0] =	vst v48  }
0xa1: {  	v48 =	vld.idx.msk [tilespmem:v39+s2+$0x0], $0xffff;
	_ =	sdelay $0x4  }
0xa2: {  	[tilespmem:$0x6D0] =	vst v48  }
0xa3: {  	v48 =	vld.idx.msk [tilespmem:v40+s2+$0x0], $0xffff;
	_ =	sdelay $0x4  }
0xa4: {  	[tilespmem:$0x7D0] =	vst v48  }
0xa5: {  	v48 =	vld.idx.msk [tilespmem:v41+s2+$0x0], $0xffff;
	_ =	sdelay $0x4  }
0xa6: {  	[tilespmem:$0x8D0] =	vst v48  }
0xa7: {  	v48 =	vld.idx.msk [tilespmem:v39+s8+$0x0], $0xffff;
	_ =	sdelay $0x4  }
0xa8: {  	[tilespmem:$0x9D0] =	vst v48  }
0xa9: {  	v48 =	vld.idx.msk [tilespmem:v41+s8+$0x0], $0xffff;
	_ =	sdelay $0x4  }
0xaa: {  	[tilespmem:$0xAD0] =	vst v48  }
0xab: {  	v48 =	vld.idx.msk [tilespmem:v42+s2+$0x0], $0xffff;
	_ =	sdelay $0x4  }
0xac: {  	[tilespmem:$0x6E0] =	vst v48  }
0xad: {  	v48 =	vld.idx.msk [tilespmem:v43+s2+$0x0], $0xffff;
	_ =	sdelay $0x4  }
0xae: {  	[tilespmem:$0x7E0] =	vst v48  }
0xaf: {  	v48 =	vld.idx.msk [tilespmem:v44+s2+$0x0], $0xffff;
	_ =	sdelay $0x4  }
0xb0: {  	[tilespmem:$0x8E0] =	vst v48  }
0xb1: {  	v48 =	vld.idx.msk [tilespmem:v42+s8+$0x0], $0xffff;
	_ =	sdelay $0x4  }
0xb2: {  	[tilespmem:$0x9E0] =	vst v48  }
0xb3: {  	v48 =	vld.idx.msk [tilespmem:v44+s8+$0x0], $0xffff;
	_ =	sdelay $0x4  }
0xb4: {  	[tilespmem:$0xAE0] =	vst v48  }
0xb5: {  	v48 =	vld.idx.msk [tilespmem:v45+s2+$0x0], $0xffff;
	_ =	sdelay $0x4  }
0xb6: {  	[tilespmem:$0x6F0] =	vst v48  }
0xb7: {  	v48 =	vld.idx.msk [tilespmem:v46+s2+$0x0], $0xffff;
	_ =	sdelay $0x4  }
0xb8: {  	[tilespmem:$0x7F0] =	vst v48  }
0xb9: {  	v48 =	vld.idx.msk [tilespmem:v47+s2+$0x0], $0xffff;
	_ =	sdelay $0x4  }
0xba: {  	[tilespmem:$0x8F0] =	vst v48  }
0xbb: {  	v48 =	vld.idx.msk [tilespmem:v45+s8+$0x0], $0xffff;
	_ =	sdelay $0x4  }
0xbc: {  	[tilespmem:$0x9F0] =	vst v48  }
0xbd: {  	v48 =	vld.idx.msk [tilespmem:v47+s8+$0x0], $0xffff;
	_ =	sdelay $0x4  }
0xbe: {  	s10 =	simm.s32 $0x600;
	[tilespmem:$0xAF0] =	vst v48  }
0xbf: {  	[tilespmem:s11], [sflag:$0x1] =	stream.indirect.gather [hbm4b:s3+s9], $0x20, s10, s9, $0xb8;
	[tilespmem:$0xAB00] =	vst v63  }
0xc0: {  	_ = 	snop  }
0xc1: {  	[tilespmem:s13], [sflag:$0x1] =	stream.indirect.gather [hbm4b:s3+s9], $0x20, s12, s9, $0xb8;
	[tilespmem:$0xAB00] =	vst v63  }
0xc2: {  	_ = 	snop  }
0xc3: {  	[tilespmem:s15], [sflag:$0x1] =	stream.indirect.gather [hbm4b:s5+s9], $0x20, s14, s9, $0xb8;
	[tilespmem:$0xAB00] =	vst v63  }
0xc4: {  	_ = 	snop  }
0xc5: {  	[tilespmem:s17], [sflag:$0x1] =	stream.indirect.gather [hbm4b:s5+s9], $0x20, s16, s9, $0xb8;
	[tilespmem:$0xAB00] =	vst v63  }
0xc6: {  	_ = 	snop  }
0xc7: {  	[tilespmem:s19], [sflag:$0x1] =	stream.indirect.gather [hbm4b:s3+s9], $0x20, s18, s9, $0xb8;
	[tilespmem:$0xAB00] =	vst v63  }
0xc8: {  	_ = 	snop  }
0xc9: {  	[tilespmem:s21], [sflag:$0x1] =	stream.indirect.gather [hbm4b:s3+s9], $0x20, s20, s9, $0xb8;
	[tilespmem:$0xAB00] =	vst v63  }
0xca: {  	_ = 	snop  }
0xcb: {  	[tilespmem:s23], [sflag:$0x1] =	stream.indirect.gather [hbm4b:s3+s9], $0x20, s22, s9, $0xb8;
	[tilespmem:$0xAB00] =	vst v63  }
0xcc: {  	_ = 	snop  }
0xcd: {  	[tilespmem:s25], [sflag:$0x1] =	stream.indirect.gather [hbm4b:s3+s9], $0x20, s24, s9, $0xb8;
	[tilespmem:$0xAB00] =	vst v63  }
0xce: {  	_ = 	snop  }
0xcf: {  	[tilespmem:s28], [sflag:$0x1] =	stream.indirect.gather [hbm4b:s3+s9], $0x20, s26, s9, $0xb8;
	[tilespmem:$0xAB00] =	vst v63  }
0xd0: {  	_ = 	snop  }
0xd1: {  	[tilespmem:s30], [sflag:$0x1] =	stream.indirect.gather [hbm4b:s3+s9], $0x20, s29, s9, $0xb8;
	[tilespmem:$0xAB00] =	vst v63  }
0xd2: {  	_ =	swait.ge [sflag:s31], $0x1000  }
0xd3: {  	[sflag:s31] =	ssyncset.done $0x0  }
0xd4: {  	[sflag:s31] =	ssyncadd.s32 $0xFFFFF000  }
0xd5: {  	_ =	swait.ge [sflag:s31], $0x1000  }
0xd6: {  	[sflag:s31] =	ssyncset.done $0x0  }
0xd7: {  	[sflag:s31] =	ssyncadd.s32 $0xFFFFF000  }
0xd8: {  	_ =	swait.ge [sflag:s31], $0x1000  }
0xd9: {  	[sflag:s31] =	ssyncset.done $0x0  }
0xda: {  	[sflag:s31] =	ssyncadd.s32 $0xFFFFF000  }
0xdb: {  	_ =	swait.ge [sflag:s31], $0x1000  }
0xdc: {  	[sflag:s31] =	ssyncset.done $0x0  }
0xdd: {  	[sflag:s31] =	ssyncadd.s32 $0xFFFFF000  }
0xde: {  	_ =	swait.ge [sflag:s31], $0x1000  }
0xdf: {  	[sflag:s31] =	ssyncset.done $0x0  }
0xe0: {  	[sflag:s31] =	ssyncadd.s32 $0xFFFFF000  }
0xe1: {  	_ =	swait.ge [sflag:s31], $0x1000  }
0xe2: {  	[sflag:s31] =	ssyncset.done $0x0  }
0xe3: {  	[sflag:s31] =	ssyncadd.s32 $0xFFFFF000  }
0xe4: {  	_ =	swait.ge [sflag:s31], $0x1000  }
0xe5: {  	[sflag:s31] =	ssyncset.done $0x0  }
0xe6: {  	[sflag:s31] =	ssyncadd.s32 $0xFFFFF000  }
0xe7: {  	_ =	swait.ge [sflag:s31], $0x1000  }
0xe8: {  	[sflag:s31] =	ssyncset.done $0x0  }
0xe9: {  	[sflag:s31] =	ssyncadd.s32 $0xFFFFF000  }
0xea: {  	_ =	swait.ge [sflag:s31], $0x1000  }
0xeb: {  	[sflag:s31] =	ssyncset.done $0x0  }
0xec: {  	[sflag:s31] =	ssyncadd.s32 $0xFFFFF000  }
0xed: {  	_ =	swait.ge [sflag:s31], $0x1000  }
0xee: {  	[sflag:s31] =	ssyncset.done $0x0  }
0xef: {  	s0 =	rddreg [dreg:$0x7];
	[sflag:s31] =	ssyncadd.s32 $0xFFFFF000  }
0xf0: {  	[hbm4b:s0+s2] =	stream.linear.scatter [tilespmem:s11], [sflag:$0x2], $0x2000, $0x38;
	[tilespmem:$0xAB00] =	vst v63  }
0xf1: {  	s10 =	rddreg [dreg:$0x8]  }
0xf2: {  	[hbm4b:s10+s2] =	stream.linear.scatter [tilespmem:s15], [sflag:$0x2], $0x2000, $0x38;
	[tilespmem:$0xAB00] =	vst v63  }
0xf3: {  	s0 =	rddreg [dreg:$0x9]  }
0xf4: {  	[hbm4b:s0+s2] =	stream.linear.scatter [tilespmem:s19], [sflag:$0x2], $0x2000, $0x38;
	[tilespmem:$0xAB00] =	vst v63  }
0xf5: {  	s10 =	rddreg [dreg:$0xa]  }
0xf6: {  	[hbm4b:s10+s2] =	stream.linear.scatter [tilespmem:s23], [sflag:$0x2], $0x2000, $0x38;
	[tilespmem:$0xAB00] =	vst v63  }
0xf7: {  	s0 =	rddreg [dreg:$0xb]  }
0xf8: {  	[hbm4b:s0+s2] =	stream.linear.scatter [tilespmem:s28], [sflag:$0x2], $0x2000, $0x38;
	[tilespmem:$0xAB00] =	vst v63  }
0xf9: {  	_ =	swait.ge [sflag:s1], $0x2000  }
0xfa: {  	[sflag:s1] =	ssyncset.done $0x0  }
0xfb: {  	[sflag:s1] =	ssyncadd.s32 $0xFFFFE000  }
0xfc: {  	_ =	swait.ge [sflag:s1], $0x2000  }
0xfd: {  	[sflag:s1] =	ssyncset.done $0x0  }
0xfe: {  	[sflag:s1] =	ssyncadd.s32 $0xFFFFE000  }
0xff: {  	_ =	swait.ge [sflag:s1], $0x2000  }
0x100: {  	[sflag:s1] =	ssyncset.done $0x0  }
0x101: {  	[sflag:s1] =	ssyncadd.s32 $0xFFFFE000  }
0x102: {  	p0 =	sne.s32 s6, $0x1;
	_ =	swait.ge [sflag:s1], $0x2000  }
.Ltmp0:
0x103: {  	[sflag:s1] =	ssyncset.done $0x0;
	(pc) =	sbr.rel @p0 .LBB2_1-.Ltmp0, $4  }
0x104: {  	[sflag:s1] =	ssyncadd.s32 $0xFFFFE000  }
0x105: {  	_ =	swait.ge [sflag:s1], $0x2000  }
0x106: {  	[sflag:s1] =	ssyncset.done $0x0  }
0x107: {  	s6 =	sadd.s32 $0xFFFFFFFF, s6;
	[sflag:s1] =	ssyncadd.s32 $0xFFFFE000  }
0x108: {  	_ =	sfence.sel $0x180000  }
0x109: {  	[bflag:$0x0] =	sbarrier.arrive $0xFFFF  }
0x10a: {  	_ =	strace $0x90000047  }
0x10b: {  	s0 =	stileid.u32;
	[bflag:$0x2] =	sbarrier.arrive $0xFFFF  }
0x10c: {  	p0 =	sne.s32 s0, $0x0;
	s0 =	rddreg [dreg:$0x5]  }
0x10d: {  	s0 =	sadd.s32 @!p0 $0x100000, s0  }
0x10e: {  	[sflag:s0] =	ssyncadd.tile.s32 @!p0 $0x1;
	_ =	shalt  }
.Lfunc_end2:
_tile_overlayer_lowered:
.L_overlay_start_2:
0x10f: {  	(tag) =	ssettag $0x2  }
0x110: {  	s0 =	rddreg [dreg:$0x0];
	s2 =	stileid.u32  }
0x111: {  	s1 =	rddreg [dreg:$0x1];
	p0 =	sne.s32 s2, $0x0  }
0x112: {  	s3 =	rddreg [dreg:$0x2];
	[bflag:$0x3] =	sbarrier.arrive $0xFFFF;
	s2 =	simm.s32 @!p0 $0x1C03  }
0x113: {  	[timem:s3], [sflag:s2] =	dma.local @!p0 [hbm:s0], s1  }
0x114: {  	s0 =	simm.s32 @!p0 $0x3  }
0x115: {  	_ =	swait.ge @!p0 [sflag:s0], s1  }
0x116: {  	s1 =	ssub.s32 @!p0 $0x0, s1;
	[sflag:s0] =	ssyncset.done @!p0 $0x0  }
0x117: {  	[sflag:s0] =	ssyncadd.s32 @!p0 s1  }
0x118: {  	[bflag:$0x3] =	sbarrier.arrive $0xFFFF  }
0x119: {  	_ =	shalt  }

</sc_bundles>
